<compile_context>
chip_gen: v7x
topology: tpu7x:2x2x1
jax: 0.10.2.dev20260603
libtpu: 0.0.44.dev20260713+nightly
codegen_flags: <defaults>
</compile_context>

<pallas_src>
import functools

import jax
import jax.numpy as jnp
from jax import lax
from jax.experimental import pallas as pl
from jax.experimental.pallas import tpu as pltpu
from jax.experimental.pallas import tpu_sc as plsc

B, N, K, D = 8, 2048, 8, 128
RT = 256
NT = N // RT
F32 = jnp.float32
_HI = lax.Precision.HIGHEST


def _knn_proj_kernel(pc_all_ref, pc_rows_ref, xyzt_rows_ref, f_rows_ref,
                     wx1_ref, wf1_ref, idx_ref, g1_ref, p_ref):
    b = pl.program_id(0)
    xyz_all = pc_all_ref[0]
    a = pc_rows_ref[0]
    at = xyzt_rows_ref[0]
    f = f_rows_ref[0]
    sq_all = jnp.sum(xyz_all * xyz_all, axis=0, keepdims=True)
    sq_r = jnp.sum(at * at, axis=1, keepdims=True)
    inner = lax.dot_general(a.astype(jnp.bfloat16),
                            xyz_all.astype(jnp.bfloat16),
                            (((0,), (0,)), ((), ())),
                            preferred_element_type=F32)
    dist = (sq_r - 2.0 * inner) + sq_all
    col = lax.broadcasted_iota(jnp.int32, (RT, N), 1)
    base = b * N
    picks = []
    for _ in range(K):
        am = jnp.argmin(dist, axis=1).astype(jnp.int32)[:, None]
        picks.append(am + base)
        dist = jnp.where(col == am, jnp.inf, dist)
    idx_ref[0] = jnp.concatenate(picks, axis=1)
    p = lax.dot_general(a, wx1_ref[...], (((0,), (0,)), ((), ())),
                        preferred_element_type=F32, precision=_HI)
    g = p + lax.dot_general(f.astype(jnp.bfloat16),
                            wf1_ref[...].astype(jnp.bfloat16),
                            (((0,), (0,)), ((), ())),
                            preferred_element_type=F32)
    p_ref[0] = p
    g1_ref[0] = g


def _sa1_kernel(hg_ref, p_ref, pc_ref, w1_ref, w2_ref, b0_ref, b1_ref,
                b2_ref, wx2_ref, wf2_ref, r_ref, s_ref):
    hg = hg_ref[0]
    p = p_ref[0]
    h0 = hg - p[:, None, :] + b0_ref[...].reshape(1, 1, D)
    mu0 = jnp.mean(h0, axis=(0, 1), keepdims=True)
    inv0 = lax.rsqrt(jnp.mean((h0 - mu0) ** 2, axis=(0, 1), keepdims=True)
                     + 1e-5)
    a0 = jnp.maximum((h0 - mu0) * inv0, 0.0).reshape(N * K, D)
    h1 = jnp.dot(a0.astype(jnp.bfloat16), w1_ref[...].astype(jnp.bfloat16),
                 preferred_element_type=F32) + b1_ref[...]
    mu1 = jnp.mean(h1, axis=0, keepdims=True)
    inv1 = lax.rsqrt(jnp.mean((h1 - mu1) ** 2, axis=0, keepdims=True) + 1e-5)
    a1 = jnp.maximum((h1 - mu1) * inv1, 0.0)
    h2 = jnp.dot(a1.astype(jnp.bfloat16), w2_ref[...].astype(jnp.bfloat16),
                 preferred_element_type=F32) + b2_ref[...]
    mu2 = jnp.mean(h2, axis=0, keepdims=True)
    inv2 = lax.rsqrt(jnp.mean((h2 - mu2) ** 2, axis=0, keepdims=True) + 1e-5)
    m2 = jnp.max(h2.reshape(N, K, D), axis=1)
    fl1 = jnp.maximum((m2 - mu2) * inv2, 0.0)
    xyz = pc_ref[0]
    s = lax.dot_general(xyz, wx2_ref[...], (((0,), (0,)), ((), ())),
                        preferred_element_type=F32, precision=_HI)
    r = s + jnp.dot(fl1.astype(jnp.bfloat16),
                    wf2_ref[...].astype(jnp.bfloat16),
                    preferred_element_type=F32)
    r_ref[0] = r
    s_ref[0] = s


def _sa2_kernel(rg_ref, s_ref, b20_ref, out_ref):
    rg = rg_ref[0]
    s = s_ref[0]
    h = rg - s[:, None, :] + b20_ref[...].reshape(1, 1, D)
    mu = jnp.mean(h, axis=(0, 1), keepdims=True)
    inv = lax.rsqrt(jnp.mean((h - mu) ** 2, axis=(0, 1), keepdims=True) + 1e-5)
    m = jnp.max(h, axis=1)
    out_ref[0] = jnp.tanh((m - mu[0]) * inv[0])


def _sc_gather(table, idx2d):
    info = plsc.get_sparse_core_info()
    nw = info.num_cores * info.num_subcores
    chunks = idx2d.shape[0]
    cpw = chunks // nw
    mesh = plsc.VectorSubcoreMesh(core_axis_name="c", subcore_axis_name="s")

    @functools.partial(
        pl.kernel, mesh=mesh,
        out_type=jax.ShapeDtypeStruct((chunks * 128, D), F32),
        scratch_types=[
            pltpu.VMEM((cpw + 2, 128), jnp.int32),
            pltpu.VMEM((128, D), F32),
            pltpu.VMEM((128, D), F32),
            pltpu.SemaphoreType.DMA,
            pltpu.SemaphoreType.DMA,
        ],
    )
    def k(table_hbm, idx_hbm, out_hbm, idx_v, rows0, rows1, sem0, sem1):
        wid = lax.axis_index("s") * info.num_cores + lax.axis_index("c")
        pltpu.sync_copy(idx_hbm.at[pl.ds(wid * cpw, cpw)],
                        idx_v.at[pl.ds(0, cpw)])
        pltpu.sync_copy(idx_hbm.at[pl.ds(wid * cpw, 2)],
                        idx_v.at[pl.ds(cpw, 2)])
        pltpu.async_copy(table_hbm.at[idx_v.at[0]], rows0, sem0)
        pltpu.async_copy(table_hbm.at[idx_v.at[1]], rows1, sem1)

        def body(i, _):
            c0 = 2 * i
            pltpu.make_async_copy(table_hbm.at[idx_v.at[c0]], rows0,
                                  sem0).wait()
            pltpu.sync_copy(rows0,
                            out_hbm.at[pl.ds((wid * cpw + c0) * 128, 128)])
            pltpu.async_copy(table_hbm.at[idx_v.at[c0 + 2]], rows0, sem0)
            pltpu.make_async_copy(table_hbm.at[idx_v.at[c0 + 1]], rows1,
                                  sem1).wait()
            pltpu.sync_copy(rows1,
                            out_hbm.at[pl.ds((wid * cpw + c0 + 1) * 128, 128)])
            pltpu.async_copy(table_hbm.at[idx_v.at[c0 + 3]], rows1, sem1)
            return 0

        lax.fori_loop(0, cpw // 2, body, 0)
        pltpu.make_async_copy(table_hbm.at[idx_v.at[cpw]], rows0, sem0).wait()
        pltpu.make_async_copy(table_hbm.at[idx_v.at[cpw + 1]], rows1,
                              sem1).wait()

    return k(table, idx2d)


def _run_chain(pc, feature, wx1, wf1, sa1_w1, sa1_w2, b0, b1, b2,
               wx2, wf2, b20):
    nb = pc.shape[0]
    xyzt = jnp.transpose(pc, (0, 2, 1))
    idx, g1, p = pl.pallas_call(
        _knn_proj_kernel,
        grid=(nb, NT),
        in_specs=[
            pl.BlockSpec((1, 3, N), lambda b, t: (b, 0, 0)),
            pl.BlockSpec((1, 3, RT), lambda b, t: (b, 0, t)),
            pl.BlockSpec((1, RT, 3), lambda b, t: (b, t, 0)),
            pl.BlockSpec((1, 64, RT), lambda b, t: (b, 0, t)),
            pl.BlockSpec((3, D), lambda b, t: (0, 0)),
            pl.BlockSpec((64, D), lambda b, t: (0, 0)),
        ],
        out_specs=[
            pl.BlockSpec((1, RT, K), lambda b, t: (b, t, 0)),
            pl.BlockSpec((1, RT, D), lambda b, t: (b, t, 0)),
            pl.BlockSpec((1, RT, D), lambda b, t: (b, t, 0)),
        ],
        out_shape=[
            jax.ShapeDtypeStruct((nb, N, K), jnp.int32),
            jax.ShapeDtypeStruct((nb, N, D), F32),
            jax.ShapeDtypeStruct((nb, N, D), F32),
        ],
    )(pc, pc, xyzt, feature, wx1, wf1)

    idx2d = idx.reshape(nb * N * K // 128, 128)
    hg = _sc_gather(g1.reshape(nb * N, D), idx2d)

    full = lambda shape: pl.BlockSpec(shape, lambda b: (0,) * len(shape))
    r, s = pl.pallas_call(
        _sa1_kernel,
        grid=(nb,),
        in_specs=[
            pl.BlockSpec((1, N, K, D), lambda b: (b, 0, 0, 0)),
            pl.BlockSpec((1, N, D), lambda b: (b, 0, 0)),
            pl.BlockSpec((1, 3, N), lambda b: (b, 0, 0)),
            full((D, D)), full((D, D)), full((1, D)), full((1, D)),
            full((1, D)), full((3, D)), full((D, D)),
        ],
        out_specs=[
            pl.BlockSpec((1, N, D), lambda b: (b, 0, 0)),
            pl.BlockSpec((1, N, D), lambda b: (b, 0, 0)),
        ],
        out_shape=[
            jax.ShapeDtypeStruct((nb, N, D), F32),
            jax.ShapeDtypeStruct((nb, N, D), F32),
        ],
    )(hg.reshape(nb, N, K, D), p, pc, sa1_w1, sa1_w2, b0, b1, b2, wx2, wf2)

    rg = _sc_gather(r.reshape(nb * N, D), idx2d)

    out = pl.pallas_call(
        _sa2_kernel,
        grid=(nb,),
        in_specs=[
            pl.BlockSpec((1, N, K, D), lambda b: (b, 0, 0, 0)),
            pl.BlockSpec((1, N, D), lambda b: (b, 0, 0)),
            full((1, D)),
        ],
        out_specs=pl.BlockSpec((1, N, D), lambda b: (b, 0, 0)),
        out_shape=jax.ShapeDtypeStruct((nb, N, D), F32),
    )(rg.reshape(nb, N, K, D), s, b20)

    return out


def kernel(pc, feature, sa1_w0, sa1_b0, sa1_w1, sa1_b1, sa1_w2, sa1_b2,
           sa2_w0, sa2_b0):
    wx1, wf1 = sa1_w0[:3], sa1_w0[3:]
    wx2, wf2 = sa2_w0[:3], sa2_w0[3:]
    b0 = sa1_b0.reshape(1, D)
    b1 = sa1_b1.reshape(1, D)
    b2 = sa1_b2.reshape(1, D)
    b20 = sa2_b0.reshape(1, D)

    nchain = 2
    h = B // nchain
    outs = [
        _run_chain(pc[i * h:(i + 1) * h], feature[i * h:(i + 1) * h],
                   wx1, wf1, sa1_w1, sa1_w2, b0, b1, b2, wx2, wf2, b20)
        for i in range(nchain)
    ]
    return jnp.transpose(jnp.concatenate(outs, axis=0), (0, 2, 1))

# --- scband reference (transcript-rebuilt; emitter-appended) ---
"""Pipeline reference for scband-hidden-init-net-63763084476702 (READ-ONLY COPY).

The authoritative reference and input builder live on the scoring server;
editing this copy changes nothing except your own understanding.
"""

import jax, jax.numpy as jnp
import numpy as np

NSAMPLE = 8

def _knn_idx(xyz, nsample):
    # xyz: [B, N, 3] -> idx of nsample nearest neighbors (incl. self) [B, N, nsample]
    sq = jnp.sum(xyz * xyz, axis=-1)
    inner = jnp.einsum('bnc,bmc->bnm', xyz, xyz)
    dist = sq[:, :, None] - 2.0 * inner + sq[:, None, :]
    _, idx = jax.lax.top_k(-dist, nsample)
    return idx

def _group(xyz, points, idx):
    # xyz [B,N,3], points [B,N,C], idx [B,N,K]
    grouped_xyz = jax.vmap(lambda x, i: x[i])(xyz, idx)      # [B,N,K,3]
    grouped_xyz = grouped_xyz - xyz[:, :, None, :]           # relative coords
    grouped_pts = jax.vmap(lambda p, i: p[i])(points, idx)   # [B,N,K,C]
    return jnp.concatenate([grouped_xyz, grouped_pts], axis=-1)

def _instance_norm(x):
    # x: [B,N,K,C]; InstanceNorm2d (affine=False) over spatial dims per (B,C)
    mean = jnp.mean(x, axis=(1, 2), keepdims=True)
    var = jnp.var(x, axis=(1, 2), keepdims=True)
    return (x - mean) / jnp.sqrt(var + 1e-5)

def _set_abstraction(xyz, points, idx, Ws, bs, use_act):
    h = _group(xyz, points, idx)                             # [B,N,K,3+C]
    for W, b in zip(Ws, bs):
        h = jnp.einsum('bnkc,cd->bnkd', h, W) + b
        h = _instance_norm(h)
        if use_act:
            h = jax.nn.relu(h)
    return jnp.max(h, axis=2)                                # [B,N,D] max over nsample

def setup_inputs(seed: int = 0):
    key = jax.random.key(seed)
    ks = jax.random.split(key, 12)
    B, N = 8, 2048
    def w(k, cin, cout):
        return (jax.random.normal(k, (cin, cout), jnp.float32) / np.sqrt(cin)).astype(jnp.float32)
    return {
        'pc': jax.random.normal(ks[0], (B, 3, N), jnp.float32),
        'feature': jax.random.normal(ks[1], (B, 64, N), jnp.float32),
        'sa1_w0': w(ks[2], 64 + 3, 128), 'sa1_b0': jax.random.normal(ks[3], (128,), jnp.float32) * 0.01,
        'sa1_w1': w(ks[4], 128, 128),    'sa1_b1': jax.random.normal(ks[5], (128,), jnp.float32) * 0.01,
        'sa1_w2': w(ks[6], 128, 128),    'sa1_b2': jax.random.normal(ks[7], (128,), jnp.float32) * 0.01,
        'sa2_w0': w(ks[8], 128 + 3, 128),'sa2_b0': jax.random.normal(ks[9], (128,), jnp.float32) * 0.01,
    }

def reference(pc, feature, sa1_w0, sa1_b0, sa1_w1, sa1_b1, sa1_w2, sa1_b2, sa2_w0, sa2_b0):
    # pc: [B,3,N], feature: [B,64,N]
    xyz = jnp.transpose(pc, (0, 2, 1))       # [B,N,3]
    pts = jnp.transpose(feature, (0, 2, 1))  # [B,N,64]
    idx = _knn_idx(xyz, NSAMPLE)             # same xyz for both SA layers -> same knn
    feat_l1 = _set_abstraction(xyz, pts, idx, [sa1_w0, sa1_w1, sa1_w2], [sa1_b0, sa1_b1, sa1_b2], True)
    feat_l2 = _set_abstraction(xyz, feat_l1, idx, [sa2_w0], [sa2_b0], False)
    h_init = jnp.tanh(feat_l2)               # [B,N,128]
    return jnp.transpose(h_init, (0, 2, 1))  # [B,128,N]

if __name__ == "__main__":
    import jax
    _d = setup_inputs()
    print(jax.jit(kernel)(*tuple(_d.values())))

</pallas_src>

<mosaic_0001>
#map = affine_map<(d0, d1) -> (0, 0)>
module attributes {stable_mosaic.version = 14 : i64} {
  func.func @k(%arg0: i32, %arg1: i32, %arg2: memref<8192x128xf32, #tpu.memory_space<hbm>>, %arg3: memref<512x128xi32, #tpu.memory_space<hbm>>, %arg4: memref<65536x128xf32, #tpu.memory_space<hbm>>, %arg5: memref<18x128xi32, #tpu.memory_space<vmem>>, %arg6: memref<128x128xf32, #tpu.memory_space<vmem>>, %arg7: memref<128x128xf32, #tpu.memory_space<vmem>>, %arg8: memref<!tpu.dma_semaphore, #tpu.memory_space<semaphore_mem>>, %arg9: memref<!tpu.dma_semaphore, #tpu.memory_space<semaphore_mem>>) attributes {dimension_semantics = [#tpu.dimension_semantics<core_parallel>, #tpu.dimension_semantics<subcore_parallel>], iteration_bounds = array<i64: 2, 16>, scalar_prefetch = 0 : i64, scratch_operands = 5 : i64, tpu.core_type = #tpu.core_type<sc_vector_subcore>, window_params = [{transform_indices = #map}, {transform_indices = #map}, {transform_indices = #map}]} {
    %mul3A = arith.constant 2 : i32
    %mul3A_0 = arith.muli %arg1, %mul3A : i32
    %add3A = arith.addi %mul3A_0, %arg0 : i32
    %mul3A_1 = arith.constant 16 : i32
    %mul3A_2 = arith.muli %add3A, %mul3A_1 : i32
    "tpu.region"() ({
      %run_scoped3A = tpu.sem_alloc : memref<!tpu.dma_semaphore, #tpu.memory_space<semaphore_mem>>
      %dma_start3A_37 = arith.constant 0 : i32
      %dma_start3A_38 = arith.constant 0 : i32
      %dma_start3A_39 = tpu.memref_slice %arg5[%dma_start3A_37, %dma_start3A_38] : memref<18x128xi32, #tpu.memory_space<vmem>> -> memref<16x128xi32, #tpu.memory_space<vmem>>
      %dma_start3A_40 = arith.constant 0 : i32
      %dma_start3A_41 = tpu.memref_slice %arg3[%mul3A_2, %dma_start3A_40] : memref<512x128xi32, #tpu.memory_space<hbm>> -> memref<16x128xi32, #tpu.memory_space<hbm>>
      %dma_start3A_42 = arith.constant 0 : i32
      %dma_start3A_43 = arith.constant 0 : i32
      %dma_start3A_44 = tpu.memref_slice %arg5[%dma_start3A_42, %dma_start3A_43] : memref<18x128xi32, #tpu.memory_space<vmem>> -> memref<16x128xi32, #tpu.memory_space<vmem>>
      %dma_start3A_45 = arith.constant 0 : i32
      %dma_start3A_46 = tpu.memref_slice %arg3[%mul3A_2, %dma_start3A_45] : memref<512x128xi32, #tpu.memory_space<hbm>> -> memref<16x128xi32, #tpu.memory_space<hbm>>
      tpu.enqueue_dma source(%dma_start3A_46 : memref<16x128xi32, #tpu.memory_space<hbm>>) target(%dma_start3A_44 : memref<16x128xi32, #tpu.memory_space<vmem>>) target_semaphore(%run_scoped3A : memref<!tpu.dma_semaphore, #tpu.memory_space<semaphore_mem>>)
      %dma_wait3A_47 = arith.constant 0 : i32
      %dma_wait3A_48 = arith.constant 0 : i32
      %dma_wait3A_49 = tpu.memref_slice %arg5[%dma_wait3A_47, %dma_wait3A_48] : memref<18x128xi32, #tpu.memory_space<vmem>> -> memref<16x128xi32, #tpu.memory_space<vmem>>
      %dma_wait3A_50 = arith.constant 0 : i32
      %dma_wait3A_51 = tpu.memref_slice %arg3[%mul3A_2, %dma_wait3A_50] : memref<512x128xi32, #tpu.memory_space<hbm>> -> memref<16x128xi32, #tpu.memory_space<hbm>>
      %dma_wait3A_52 = arith.constant 0 : i32
      %dma_wait3A_53 = arith.constant 0 : i32
      %dma_wait3A_54 = tpu.memref_slice %arg5[%dma_wait3A_52, %dma_wait3A_53] : memref<18x128xi32, #tpu.memory_space<vmem>> -> memref<16x128xi32, #tpu.memory_space<vmem>>
      %dma_wait3A_55 = arith.constant 0 : i32
      %dma_wait3A_56 = tpu.memref_slice %arg3[%mul3A_2, %dma_wait3A_55] : memref<512x128xi32, #tpu.memory_space<hbm>> -> memref<16x128xi32, #tpu.memory_space<hbm>>
      tpu.wait_dma2 semaphore(%run_scoped3A : memref<!tpu.dma_semaphore, #tpu.memory_space<semaphore_mem>>) src(%dma_wait3A_56 : memref<16x128xi32, #tpu.memory_space<hbm>>) dst(%dma_wait3A_54 : memref<16x128xi32, #tpu.memory_space<vmem>>)
      tpu.yield
    }) : () -> ()
    %mul3A_3 = arith.constant 16 : i32
    %mul3A_4 = arith.muli %add3A, %mul3A_3 : i32
    "tpu.region"() ({
      %run_scoped3A = tpu.sem_alloc : memref<!tpu.dma_semaphore, #tpu.memory_space<semaphore_mem>>
      %dma_start3A_37 = arith.constant 16 : i32
      %dma_start3A_38 = arith.constant 0 : i32
      %dma_start3A_39 = tpu.memref_slice %arg5[%dma_start3A_37, %dma_start3A_38] : memref<18x128xi32, #tpu.memory_space<vmem>> -> memref<2x128xi32, #tpu.memory_space<vmem>>
      %dma_start3A_40 = arith.constant 0 : i32
      %dma_start3A_41 = tpu.memref_slice %arg3[%mul3A_4, %dma_start3A_40] : memref<512x128xi32, #tpu.memory_space<hbm>> -> memref<2x128xi32, #tpu.memory_space<hbm>>
      %dma_start3A_42 = arith.constant 16 : i32
      %dma_start3A_43 = arith.constant 0 : i32
      %dma_start3A_44 = tpu.memref_slice %arg5[%dma_start3A_42, %dma_start3A_43] : memref<18x128xi32, #tpu.memory_space<vmem>> -> memref<2x128xi32, #tpu.memory_space<vmem>>
      %dma_start3A_45 = arith.constant 0 : i32
      %dma_start3A_46 = tpu.memref_slice %arg3[%mul3A_4, %dma_start3A_45] : memref<512x128xi32, #tpu.memory_space<hbm>> -> memref<2x128xi32, #tpu.memory_space<hbm>>
      tpu.enqueue_dma source(%dma_start3A_46 : memref<2x128xi32, #tpu.memory_space<hbm>>) target(%dma_start3A_44 : memref<2x128xi32, #tpu.memory_space<vmem>>) target_semaphore(%run_scoped3A : memref<!tpu.dma_semaphore, #tpu.memory_space<semaphore_mem>>)
      %dma_wait3A_47 = arith.constant 16 : i32
      %dma_wait3A_48 = arith.constant 0 : i32
      %dma_wait3A_49 = tpu.memref_slice %arg5[%dma_wait3A_47, %dma_wait3A_48] : memref<18x128xi32, #tpu.memory_space<vmem>> -> memref<2x128xi32, #tpu.memory_space<vmem>>
      %dma_wait3A_50 = arith.constant 0 : i32
      %dma_wait3A_51 = tpu.memref_slice %arg3[%mul3A_4, %dma_wait3A_50] : memref<512x128xi32, #tpu.memory_space<hbm>> -> memref<2x128xi32, #tpu.memory_space<hbm>>
      %dma_wait3A_52 = arith.constant 16 : i32
      %dma_wait3A_53 = arith.constant 0 : i32
      %dma_wait3A_54 = tpu.memref_slice %arg5[%dma_wait3A_52, %dma_wait3A_53] : memref<18x128xi32, #tpu.memory_space<vmem>> -> memref<2x128xi32, #tpu.memory_space<vmem>>
      %dma_wait3A_55 = arith.constant 0 : i32
      %dma_wait3A_56 = tpu.memref_slice %arg3[%mul3A_4, %dma_wait3A_55] : memref<512x128xi32, #tpu.memory_space<hbm>> -> memref<2x128xi32, #tpu.memory_space<hbm>>
      tpu.wait_dma2 semaphore(%run_scoped3A : memref<!tpu.dma_semaphore, #tpu.memory_space<semaphore_mem>>) src(%dma_wait3A_56 : memref<2x128xi32, #tpu.memory_space<hbm>>) dst(%dma_wait3A_54 : memref<2x128xi32, #tpu.memory_space<vmem>>)
      tpu.yield
    }) : () -> ()
    %dma_start3A = arith.constant 0 : i32
    %dma_start3A_5 = arith.constant 0 : i32
    %dma_start3A_6 = tpu.memref_slice %arg5[%dma_start3A, %dma_start3A_5] : memref<18x128xi32, #tpu.memory_space<vmem>> -> memref<1x128xi32, #tpu.memory_space<vmem>>
    %dma_start3A_7 = tpu.memref_squeeze %dma_start3A_6 : memref<1x128xi32, #tpu.memory_space<vmem>> -> memref<128xi32, #tpu.memory_space<vmem>>
    %dma_start3A_8 = arith.constant 0 : i32
    %dma_start3A_9 = arith.constant 0 : i32
    %dma_start3A_10 = tpu.memref_slice %arg2[%dma_start3A_8, %dma_start3A_9] : memref<8192x128xf32, #tpu.memory_space<hbm>> -> memref<8192x128xf32, #tpu.memory_space<hbm>>
    tpu.enqueue_indirect_dma source(%dma_start3A_10 : memref<8192x128xf32, #tpu.memory_space<hbm>>) target(%arg6 : memref<128x128xf32, #tpu.memory_space<vmem>>) offsets(%dma_start3A_7 : memref<128xi32, #tpu.memory_space<vmem>>) semaphore(%arg8 : memref<!tpu.dma_semaphore, #tpu.memory_space<semaphore_mem>>)
    %dma_start3A_11 = arith.constant 1 : i32
    %dma_start3A_12 = arith.constant 0 : i32
    %dma_start3A_13 = tpu.memref_slice %arg5[%dma_start3A_11, %dma_start3A_12] : memref<18x128xi32, #tpu.memory_space<vmem>> -> memref<1x128xi32, #tpu.memory_space<vmem>>
    %dma_start3A_14 = tpu.memref_squeeze %dma_start3A_13 : memref<1x128xi32, #tpu.memory_space<vmem>> -> memref<128xi32, #tpu.memory_space<vmem>>
    %dma_start3A_15 = arith.constant 0 : i32
    %dma_start3A_16 = arith.constant 0 : i32
    %dma_start3A_17 = tpu.memref_slice %arg2[%dma_start3A_15, %dma_start3A_16] : memref<8192x128xf32, #tpu.memory_space<hbm>> -> memref<8192x128xf32, #tpu.memory_space<hbm>>
    tpu.enqueue_indirect_dma source(%dma_start3A_17 : memref<8192x128xf32, #tpu.memory_space<hbm>>) target(%arg7 : memref<128x128xf32, #tpu.memory_space<vmem>>) offsets(%dma_start3A_14 : memref<128xi32, #tpu.memory_space<vmem>>) semaphore(%arg9 : memref<!tpu.dma_semaphore, #tpu.memory_space<semaphore_mem>>)
    %scan3A = arith.constant 0 : i32
    %scan3A_18 = arith.constant 0 : i32
    %scan3A_19 = arith.constant 8 : i32
    %scan3A_20 = arith.addi %scan3A_18, %scan3A_19 : i32
    %scan3A_21 = arith.constant 1 : i32
    %scan3A_22 = scf.for %scan3A_37 = %scan3A_18 to %scan3A_20 step %scan3A_21 iter_args(%scan3A_38 = %scan3A) -> (i32)  : i32 {
      %mul3A_39 = arith.constant 2 : i32
      %mul3A_40 = arith.muli %mul3A_39, %scan3A_37 : i32
      %dma_wait3A_41 = arith.constant 0 : i32
      %dma_wait3A_42 = tpu.memref_slice %arg5[%mul3A_40, %dma_wait3A_41] : memref<18x128xi32, #tpu.memory_space<vmem>> -> memref<1x128xi32, #tpu.memory_space<vmem>>
      %dma_wait3A_43 = tpu.memref_squeeze %dma_wait3A_42 : memref<1x128xi32, #tpu.memory_space<vmem>> -> memref<128xi32, #tpu.memory_space<vmem>>
      %dma_wait3A_44 = arith.constant 0 : i32
      %dma_wait3A_45 = arith.constant 0 : i32
      %dma_wait3A_46 = tpu.memref_slice %arg2[%dma_wait3A_44, %dma_wait3A_45] : memref<8192x128xf32, #tpu.memory_space<hbm>> -> memref<8192x128xf32, #tpu.memory_space<hbm>>
      tpu.wait_indirect_dma semaphore(%arg8 : memref<!tpu.dma_semaphore, #tpu.memory_space<semaphore_mem>>) src(%dma_wait3A_46 : memref<8192x128xf32, #tpu.memory_space<hbm>>) dst(%arg6 : memref<128x128xf32, #tpu.memory_space<vmem>>)
      %mul3A_47 = arith.constant 16 : i32
      %mul3A_48 = arith.muli %add3A, %mul3A_47 : i32
      %add3A_49 = arith.addi %mul3A_48, %mul3A_40 : i32
      %mul3A_50 = arith.constant 128 : i32
      %mul3A_51 = arith.muli %add3A_49, %mul3A_50 : i32
      "tpu.region"() ({
        %run_scoped3A = tpu.sem_alloc : memref<!tpu.dma_semaphore, #tpu.memory_space<semaphore_mem>>
        %dma_start3A_84 = arith.constant 0 : i32
        %dma_start3A_85 = tpu.memref_slice %arg4[%mul3A_51, %dma_start3A_84] : memref<65536x128xf32, #tpu.memory_space<hbm>> -> memref<128x128xf32, #tpu.memory_space<hbm>>
        %dma_start3A_86 = arith.constant 0 : i32
        %dma_start3A_87 = tpu.memref_slice %arg4[%mul3A_51, %dma_start3A_86] : memref<65536x128xf32, #tpu.memory_space<hbm>> -> memref<128x128xf32, #tpu.memory_space<hbm>>
        tpu.enqueue_dma source(%arg6 : memref<128x128xf32, #tpu.memory_space<vmem>>) target(%dma_start3A_87 : memref<128x128xf32, #tpu.memory_space<hbm>>) target_semaphore(%run_scoped3A : memref<!tpu.dma_semaphore, #tpu.memory_space<semaphore_mem>>)
        %dma_wait3A_88 = arith.constant 0 : i32
        %dma_wait3A_89 = tpu.memref_slice %arg4[%mul3A_51, %dma_wait3A_88] : memref<65536x128xf32, #tpu.memory_space<hbm>> -> memref<128x128xf32, #tpu.memory_space<hbm>>
        %dma_wait3A_90 = arith.constant 0 : i32
        %dma_wait3A_91 = tpu.memref_slice %arg4[%mul3A_51, %dma_wait3A_90] : memref<65536x128xf32, #tpu.memory_space<hbm>> -> memref<128x128xf32, #tpu.memory_space<hbm>>
        tpu.wait_dma2 semaphore(%run_scoped3A : memref<!tpu.dma_semaphore, #tpu.memory_space<semaphore_mem>>) src(%arg6 : memref<128x128xf32, #tpu.memory_space<vmem>>) dst(%dma_wait3A_91 : memref<128x128xf32, #tpu.memory_space<hbm>>)
        tpu.yield
      }) : () -> ()
      %add3A_52 = arith.constant 2 : i32
      %add3A_53 = arith.addi %mul3A_40, %add3A_52 : i32
      %dma_start3A_54 = arith.constant 0 : i32
      %dma_start3A_55 = tpu.memref_slice %arg5[%add3A_53, %dma_start3A_54] : memref<18x128xi32, #tpu.memory_space<vmem>> -> memref<1x128xi32, #tpu.memory_space<vmem>>
      %dma_start3A_56 = tpu.memref_squeeze %dma_start3A_55 : memref<1x128xi32, #tpu.memory_space<vmem>> -> memref<128xi32, #tpu.memory_space<vmem>>
      %dma_start3A_57 = arith.constant 0 : i32
      %dma_start3A_58 = arith.constant 0 : i32
      %dma_start3A_59 = tpu.memref_slice %arg2[%dma_start3A_57, %dma_start3A_58] : memref<8192x128xf32, #tpu.memory_space<hbm>> -> memref<8192x128xf32, #tpu.memory_space<hbm>>
      tpu.enqueue_indirect_dma source(%dma_start3A_59 : memref<8192x128xf32, #tpu.memory_space<hbm>>) target(%arg6 : memref<128x128xf32, #tpu.memory_space<vmem>>) offsets(%dma_start3A_56 : memref<128xi32, #tpu.memory_space<vmem>>) semaphore(%arg8 : memref<!tpu.dma_semaphore, #tpu.memory_space<semaphore_mem>>)
      %add3A_60 = arith.constant 1 : i32
      %add3A_61 = arith.addi %mul3A_40, %add3A_60 : i32
      %dma_wait3A_62 = arith.constant 0 : i32
      %dma_wait3A_63 = tpu.memref_slice %arg5[%add3A_61, %dma_wait3A_62] : memref<18x128xi32, #tpu.memory_space<vmem>> -> memref<1x128xi32, #tpu.memory_space<vmem>>
      %dma_wait3A_64 = tpu.memref_squeeze %dma_wait3A_63 : memref<1x128xi32, #tpu.memory_space<vmem>> -> memref<128xi32, #tpu.memory_space<vmem>>
      %dma_wait3A_65 = arith.constant 0 : i32
      %dma_wait3A_66 = arith.constant 0 : i32
      %dma_wait3A_67 = tpu.memref_slice %arg2[%dma_wait3A_65, %dma_wait3A_66] : memref<8192x128xf32, #tpu.memory_space<hbm>> -> memref<8192x128xf32, #tpu.memory_space<hbm>>
      tpu.wait_indirect_dma semaphore(%arg9 : memref<!tpu.dma_semaphore, #tpu.memory_space<semaphore_mem>>) src(%dma_wait3A_67 : memref<8192x128xf32, #tpu.memory_space<hbm>>) dst(%arg7 : memref<128x128xf32, #tpu.memory_space<vmem>>)
      %mul3A_68 = arith.constant 16 : i32
      %mul3A_69 = arith.muli %add3A, %mul3A_68 : i32
      %add3A_70 = arith.addi %mul3A_69, %mul3A_40 : i32
      %add3A_71 = arith.constant 1 : i32
      %add3A_72 = arith.addi %add3A_70, %add3A_71 : i32
      %mul3A_73 = arith.constant 128 : i32
      %mul3A_74 = arith.muli %add3A_72, %mul3A_73 : i32
      "tpu.region"() ({
        %run_scoped3A = tpu.sem_alloc : memref<!tpu.dma_semaphore, #tpu.memory_space<semaphore_mem>>
        %dma_start3A_84 = arith.constant 0 : i32
        %dma_start3A_85 = tpu.memref_slice %arg4[%mul3A_74, %dma_start3A_84] : memref<65536x128xf32, #tpu.memory_space<hbm>> -> memref<128x128xf32, #tpu.memory_space<hbm>>
        %dma_start3A_86 = arith.constant 0 : i32
        %dma_start3A_87 = tpu.memref_slice %arg4[%mul3A_74, %dma_start3A_86] : memref<65536x128xf32, #tpu.memory_space<hbm>> -> memref<128x128xf32, #tpu.memory_space<hbm>>
        tpu.enqueue_dma source(%arg7 : memref<128x128xf32, #tpu.memory_space<vmem>>) target(%dma_start3A_87 : memref<128x128xf32, #tpu.memory_space<hbm>>) target_semaphore(%run_scoped3A : memref<!tpu.dma_semaphore, #tpu.memory_space<semaphore_mem>>)
        %dma_wait3A_88 = arith.constant 0 : i32
        %dma_wait3A_89 = tpu.memref_slice %arg4[%mul3A_74, %dma_wait3A_88] : memref<65536x128xf32, #tpu.memory_space<hbm>> -> memref<128x128xf32, #tpu.memory_space<hbm>>
        %dma_wait3A_90 = arith.constant 0 : i32
        %dma_wait3A_91 = tpu.memref_slice %arg4[%mul3A_74, %dma_wait3A_90] : memref<65536x128xf32, #tpu.memory_space<hbm>> -> memref<128x128xf32, #tpu.memory_space<hbm>>
        tpu.wait_dma2 semaphore(%run_scoped3A : memref<!tpu.dma_semaphore, #tpu.memory_space<semaphore_mem>>) src(%arg7 : memref<128x128xf32, #tpu.memory_space<vmem>>) dst(%dma_wait3A_91 : memref<128x128xf32, #tpu.memory_space<hbm>>)
        tpu.yield
      }) : () -> ()
      %add3A_75 = arith.constant 3 : i32
      %add3A_76 = arith.addi %mul3A_40, %add3A_75 : i32
      %dma_start3A_77 = arith.constant 0 : i32
      %dma_start3A_78 = tpu.memref_slice %arg5[%add3A_76, %dma_start3A_77] : memref<18x128xi32, #tpu.memory_space<vmem>> -> memref<1x128xi32, #tpu.memory_space<vmem>>
      %dma_start3A_79 = tpu.memref_squeeze %dma_start3A_78 : memref<1x128xi32, #tpu.memory_space<vmem>> -> memref<128xi32, #tpu.memory_space<vmem>>
      %dma_start3A_80 = arith.constant 0 : i32
      %dma_start3A_81 = arith.constant 0 : i32
      %dma_start3A_82 = tpu.memref_slice %arg2[%dma_start3A_80, %dma_start3A_81] : memref<8192x128xf32, #tpu.memory_space<hbm>> -> memref<8192x128xf32, #tpu.memory_space<hbm>>
      tpu.enqueue_indirect_dma source(%dma_start3A_82 : memref<8192x128xf32, #tpu.memory_space<hbm>>) target(%arg7 : memref<128x128xf32, #tpu.memory_space<vmem>>) offsets(%dma_start3A_79 : memref<128xi32, #tpu.memory_space<vmem>>) semaphore(%arg9 : memref<!tpu.dma_semaphore, #tpu.memory_space<semaphore_mem>>)
      %scan3A_83 = arith.constant 0 : i32
      scf.yield %scan3A_83 : i32
    }
    %scan3A_23 = arith.constant 8 : i32
    %dma_wait3A = arith.constant 16 : i32
    %dma_wait3A_24 = arith.constant 0 : i32
    %dma_wait3A_25 = tpu.memref_slice %arg5[%dma_wait3A, %dma_wait3A_24] : memref<18x128xi32, #tpu.memory_space<vmem>> -> memref<1x128xi32, #tpu.memory_space<vmem>>
    %dma_wait3A_26 = tpu.memref_squeeze %dma_wait3A_25 : memref<1x128xi32, #tpu.memory_space<vmem>> -> memref<128xi32, #tpu.memory_space<vmem>>
    %dma_wait3A_27 = arith.constant 0 : i32
    %dma_wait3A_28 = arith.constant 0 : i32
    %dma_wait3A_29 = tpu.memref_slice %arg2[%dma_wait3A_27, %dma_wait3A_28] : memref<8192x128xf32, #tpu.memory_space<hbm>> -> memref<8192x128xf32, #tpu.memory_space<hbm>>
    tpu.wait_indirect_dma semaphore(%arg8 : memref<!tpu.dma_semaphore, #tpu.memory_space<semaphore_mem>>) src(%dma_wait3A_29 : memref<8192x128xf32, #tpu.memory_space<hbm>>) dst(%arg6 : memref<128x128xf32, #tpu.memory_space<vmem>>)
    %dma_wait3A_30 = arith.constant 17 : i32
    %dma_wait3A_31 = arith.constant 0 : i32
    %dma_wait3A_32 = tpu.memref_slice %arg5[%dma_wait3A_30, %dma_wait3A_31] : memref<18x128xi32, #tpu.memory_space<vmem>> -> memref<1x128xi32, #tpu.memory_space<vmem>>
    %dma_wait3A_33 = tpu.memref_squeeze %dma_wait3A_32 : memref<1x128xi32, #tpu.memory_space<vmem>> -> memref<128xi32, #tpu.memory_space<vmem>>
    %dma_wait3A_34 = arith.constant 0 : i32
    %dma_wait3A_35 = arith.constant 0 : i32
    %dma_wait3A_36 = tpu.memref_slice %arg2[%dma_wait3A_34, %dma_wait3A_35] : memref<8192x128xf32, #tpu.memory_space<hbm>> -> memref<8192x128xf32, #tpu.memory_space<hbm>>
    tpu.wait_indirect_dma semaphore(%arg9 : memref<!tpu.dma_semaphore, #tpu.memory_space<semaphore_mem>>) src(%dma_wait3A_36 : memref<8192x128xf32, #tpu.memory_space<hbm>>) dst(%arg7 : memref<128x128xf32, #tpu.memory_space<vmem>>)
    return
  }
}

#map = affine_map<(d0, d1) -> (0, 0)>
module attributes {stable_mosaic.version = 14 : i64} {
  func.func @k(%arg0: i32, %arg1: i32, %arg2: memref<8192x128xf32, #tpu.memory_space<hbm>>, %arg3: memref<512x128xi32, #tpu.memory_space<hbm>>, %arg4: memref<65536x128xf32, #tpu.memory_space<hbm>>, %arg5: memref<18x128xi32, #tpu.memory_space<vmem>>, %arg6: memref<128x128xf32, #tpu.memory_space<vmem>>, %arg7: memref<128x128xf32, #tpu.memory_space<vmem>>, %arg8: memref<!tpu.dma_semaphore, #tpu.memory_space<semaphore_mem>>, %arg9: memref<!tpu.dma_semaphore, #tpu.memory_space<semaphore_mem>>) attributes {dimension_semantics = [#tpu.dimension_semantics<core_parallel>, #tpu.dimension_semantics<subcore_parallel>], iteration_bounds = array<i64: 2, 16>, scalar_prefetch = 0 : i64, scratch_operands = 5 : i64, tpu.core_type = #tpu.core_type<sc_vector_subcore>, window_params = [{transform_indices = #map}, {transform_indices = #map}, {transform_indices = #map}]} {
    %mul3A = arith.constant 2 : i32
    %mul3A_0 = arith.muli %arg1, %mul3A : i32
    %add3A = arith.addi %mul3A_0, %arg0 : i32
    %mul3A_1 = arith.constant 16 : i32
    %mul3A_2 = arith.muli %add3A, %mul3A_1 : i32
    "tpu.region"() ({
      %run_scoped3A = tpu.sem_alloc : memref<!tpu.dma_semaphore, #tpu.memory_space<semaphore_mem>>
      %dma_start3A_37 = arith.constant 0 : i32
      %dma_start3A_38 = arith.constant 0 : i32
      %dma_start3A_39 = tpu.memref_slice %arg5[%dma_start3A_37, %dma_start3A_38] : memref<18x128xi32, #tpu.memory_space<vmem>> -> memref<16x128xi32, #tpu.memory_space<vmem>>
      %dma_start3A_40 = arith.constant 0 : i32
      %dma_start3A_41 = tpu.memref_slice %arg3[%mul3A_2, %dma_start3A_40] : memref<512x128xi32, #tpu.memory_space<hbm>> -> memref<16x128xi32, #tpu.memory_space<hbm>>
      %dma_start3A_42 = arith.constant 0 : i32
      %dma_start3A_43 = arith.constant 0 : i32
      %dma_start3A_44 = tpu.memref_slice %arg5[%dma_start3A_42, %dma_start3A_43] : memref<18x128xi32, #tpu.memory_space<vmem>> -> memref<16x128xi32, #tpu.memory_space<vmem>>
      %dma_start3A_45 = arith.constant 0 : i32
      %dma_start3A_46 = tpu.memref_slice %arg3[%mul3A_2, %dma_start3A_45] : memref<512x128xi32, #tpu.memory_space<hbm>> -> memref<16x128xi32, #tpu.memory_space<hbm>>
      tpu.enqueue_dma source(%dma_start3A_46 : memref<16x128xi32, #tpu.memory_space<hbm>>) target(%dma_start3A_44 : memref<16x128xi32, #tpu.memory_space<vmem>>) target_semaphore(%run_scoped3A : memref<!tpu.dma_semaphore, #tpu.memory_space<semaphore_mem>>)
      %dma_wait3A_47 = arith.constant 0 : i32
      %dma_wait3A_48 = arith.constant 0 : i32
      %dma_wait3A_49 = tpu.memref_slice %arg5[%dma_wait3A_47, %dma_wait3A_48] : memref<18x128xi32, #tpu.memory_space<vmem>> -> memref<16x128xi32, #tpu.memory_space<vmem>>
      %dma_wait3A_50 = arith.constant 0 : i32
      %dma_wait3A_51 = tpu.memref_slice %arg3[%mul3A_2, %dma_wait3A_50] : memref<512x128xi32, #tpu.memory_space<hbm>> -> memref<16x128xi32, #tpu.memory_space<hbm>>
      %dma_wait3A_52 = arith.constant 0 : i32
      %dma_wait3A_53 = arith.constant 0 : i32
      %dma_wait3A_54 = tpu.memref_slice %arg5[%dma_wait3A_52, %dma_wait3A_53] : memref<18x128xi32, #tpu.memory_space<vmem>> -> memref<16x128xi32, #tpu.memory_space<vmem>>
      %dma_wait3A_55 = arith.constant 0 : i32
      %dma_wait3A_56 = tpu.memref_slice %arg3[%mul3A_2, %dma_wait3A_55] : memref<512x128xi32, #tpu.memory_space<hbm>> -> memref<16x128xi32, #tpu.memory_space<hbm>>
      tpu.wait_dma2 semaphore(%run_scoped3A : memref<!tpu.dma_semaphore, #tpu.memory_space<semaphore_mem>>) src(%dma_wait3A_56 : memref<16x128xi32, #tpu.memory_space<hbm>>) dst(%dma_wait3A_54 : memref<16x128xi32, #tpu.memory_space<vmem>>)
      tpu.yield
    }) : () -> ()
    %mul3A_3 = arith.constant 16 : i32
    %mul3A_4 = arith.muli %add3A, %mul3A_3 : i32
    "tpu.region"() ({
      %run_scoped3A = tpu.sem_alloc : memref<!tpu.dma_semaphore, #tpu.memory_space<semaphore_mem>>
      %dma_start3A_37 = arith.constant 16 : i32
      %dma_start3A_38 = arith.constant 0 : i32
      %dma_start3A_39 = tpu.memref_slice %arg5[%dma_start3A_37, %dma_start3A_38] : memref<18x128xi32, #tpu.memory_space<vmem>> -> memref<2x128xi32, #tpu.memory_space<vmem>>
      %dma_start3A_40 = arith.constant 0 : i32
      %dma_start3A_41 = tpu.memref_slice %arg3[%mul3A_4, %dma_start3A_40] : memref<512x128xi32, #tpu.memory_space<hbm>> -> memref<2x128xi32, #tpu.memory_space<hbm>>
      %dma_start3A_42 = arith.constant 16 : i32
      %dma_start3A_43 = arith.constant 0 : i32
      %dma_start3A_44 = tpu.memref_slice %arg5[%dma_start3A_42, %dma_start3A_43] : memref<18x128xi32, #tpu.memory_space<vmem>> -> memref<2x128xi32, #tpu.memory_space<vmem>>
      %dma_start3A_45 = arith.constant 0 : i32
      %dma_start3A_46 = tpu.memref_slice %arg3[%mul3A_4, %dma_start3A_45] : memref<512x128xi32, #tpu.memory_space<hbm>> -> memref<2x128xi32, #tpu.memory_space<hbm>>
      tpu.enqueue_dma source(%dma_start3A_46 : memref<2x128xi32, #tpu.memory_space<hbm>>) target(%dma_start3A_44 : memref<2x128xi32, #tpu.memory_space<vmem>>) target_semaphore(%run_scoped3A : memref<!tpu.dma_semaphore, #tpu.memory_space<semaphore_mem>>)
      %dma_wait3A_47 = arith.constant 16 : i32
      %dma_wait3A_48 = arith.constant 0 : i32
      %dma_wait3A_49 = tpu.memref_slice %arg5[%dma_wait3A_47, %dma_wait3A_48] : memref<18x128xi32, #tpu.memory_space<vmem>> -> memref<2x128xi32, #tpu.memory_space<vmem>>
      %dma_wait3A_50 = arith.constant 0 : i32
      %dma_wait3A_51 = tpu.memref_slice %arg3[%mul3A_4, %dma_wait3A_50] : memref<512x128xi32, #tpu.memory_space<hbm>> -> memref<2x128xi32, #tpu.memory_space<hbm>>
      %dma_wait3A_52 = arith.constant 16 : i32
      %dma_wait3A_53 = arith.constant 0 : i32
      %dma_wait3A_54 = tpu.memref_slice %arg5[%dma_wait3A_52, %dma_wait3A_53] : memref<18x128xi32, #tpu.memory_space<vmem>> -> memref<2x128xi32, #tpu.memory_space<vmem>>
      %dma_wait3A_55 = arith.constant 0 : i32
      %dma_wait3A_56 = tpu.memref_slice %arg3[%mul3A_4, %dma_wait3A_55] : memref<512x128xi32, #tpu.memory_space<hbm>> -> memref<2x128xi32, #tpu.memory_space<hbm>>
      tpu.wait_dma2 semaphore(%run_scoped3A : memref<!tpu.dma_semaphore, #tpu.memory_space<semaphore_mem>>) src(%dma_wait3A_56 : memref<2x128xi32, #tpu.memory_space<hbm>>) dst(%dma_wait3A_54 : memref<2x128xi32, #tpu.memory_space<vmem>>)
      tpu.yield
    }) : () -> ()
    %dma_start3A = arith.constant 0 : i32
    %dma_start3A_5 = arith.constant 0 : i32
    %dma_start3A_6 = tpu.memref_slice %arg5[%dma_start3A, %dma_start3A_5] : memref<18x128xi32, #tpu.memory_space<vmem>> -> memref<1x128xi32, #tpu.memory_space<vmem>>
    %dma_start3A_7 = tpu.memref_squeeze %dma_start3A_6 : memref<1x128xi32, #tpu.memory_space<vmem>> -> memref<128xi32, #tpu.memory_space<vmem>>
    %dma_start3A_8 = arith.constant 0 : i32
    %dma_start3A_9 = arith.constant 0 : i32
    %dma_start3A_10 = tpu.memref_slice %arg2[%dma_start3A_8, %dma_start3A_9] : memref<8192x128xf32, #tpu.memory_space<hbm>> -> memref<8192x128xf32, #tpu.memory_space<hbm>>
    tpu.enqueue_indirect_dma source(%dma_start3A_10 : memref<8192x128xf32, #tpu.memory_space<hbm>>) target(%arg6 : memref<128x128xf32, #tpu.memory_space<vmem>>) offsets(%dma_start3A_7 : memref<128xi32, #tpu.memory_space<vmem>>) semaphore(%arg8 : memref<!tpu.dma_semaphore, #tpu.memory_space<semaphore_mem>>)
    %dma_start3A_11 = arith.constant 1 : i32
    %dma_start3A_12 = arith.constant 0 : i32
    %dma_start3A_13 = tpu.memref_slice %arg5[%dma_start3A_11, %dma_start3A_12] : memref<18x128xi32, #tpu.memory_space<vmem>> -> memref<1x128xi32, #tpu.memory_space<vmem>>
    %dma_start3A_14 = tpu.memref_squeeze %dma_start3A_13 : memref<1x128xi32, #tpu.memory_space<vmem>> -> memref<128xi32, #tpu.memory_space<vmem>>
    %dma_start3A_15 = arith.constant 0 : i32
    %dma_start3A_16 = arith.constant 0 : i32
    %dma_start3A_17 = tpu.memref_slice %arg2[%dma_start3A_15, %dma_start3A_16] : memref<8192x128xf32, #tpu.memory_space<hbm>> -> memref<8192x128xf32, #tpu.memory_space<hbm>>
    tpu.enqueue_indirect_dma source(%dma_start3A_17 : memref<8192x128xf32, #tpu.memory_space<hbm>>) target(%arg7 : memref<128x128xf32, #tpu.memory_space<vmem>>) offsets(%dma_start3A_14 : memref<128xi32, #tpu.memory_space<vmem>>) semaphore(%arg9 : memref<!tpu.dma_semaphore, #tpu.memory_space<semaphore_mem>>)
    %scan3A = arith.constant 0 : i32
    %scan3A_18 = arith.constant 0 : i32
    %scan3A_19 = arith.constant 8 : i32
    %scan3A_20 = arith.addi %scan3A_18, %scan3A_19 : i32
    %scan3A_21 = arith.constant 1 : i32
    %scan3A_22 = scf.for %scan3A_37 = %scan3A_18 to %scan3A_20 step %scan3A_21 iter_args(%scan3A_38 = %scan3A) -> (i32)  : i32 {
      %mul3A_39 = arith.constant 2 : i32
      %mul3A_40 = arith.muli %mul3A_39, %scan3A_37 : i32
      %dma_wait3A_41 = arith.constant 0 : i32
      %dma_wait3A_42 = tpu.memref_slice %arg5[%mul3A_40, %dma_wait3A_41] : memref<18x128xi32, #tpu.memory_space<vmem>> -> memref<1x128xi32, #tpu.memory_space<vmem>>
      %dma_wait3A_43 = tpu.memref_squeeze %dma_wait3A_42 : memref<1x128xi32, #tpu.memory_space<vmem>> -> memref<128xi32, #tpu.memory_space<vmem>>
      %dma_wait3A_44 = arith.constant 0 : i32
      %dma_wait3A_45 = arith.constant 0 : i32
      %dma_wait3A_46 = tpu.memref_slice %arg2[%dma_wait3A_44, %dma_wait3A_45] : memref<8192x128xf32, #tpu.memory_space<hbm>> -> memref<8192x128xf32, #tpu.memory_space<hbm>>
      tpu.wait_indirect_dma semaphore(%arg8 : memref<!tpu.dma_semaphore, #tpu.memory_space<semaphore_mem>>) src(%dma_wait3A_46 : memref<8192x128xf32, #tpu.memory_space<hbm>>) dst(%arg6 : memref<128x128xf32, #tpu.memory_space<vmem>>)
      %mul3A_47 = arith.constant 16 : i32
      %mul3A_48 = arith.muli %add3A, %mul3A_47 : i32
      %add3A_49 = arith.addi %mul3A_48, %mul3A_40 : i32
      %mul3A_50 = arith.constant 128 : i32
      %mul3A_51 = arith.muli %add3A_49, %mul3A_50 : i32
      "tpu.region"() ({
        %run_scoped3A = tpu.sem_alloc : memref<!tpu.dma_semaphore, #tpu.memory_space<semaphore_mem>>
        %dma_start3A_84 = arith.constant 0 : i32
        %dma_start3A_85 = tpu.memref_slice %arg4[%mul3A_51, %dma_start3A_84] : memref<65536x128xf32, #tpu.memory_space<hbm>> -> memref<128x128xf32, #tpu.memory_space<hbm>>
        %dma_start3A_86 = arith.constant 0 : i32
        %dma_start3A_87 = tpu.memref_slice %arg4[%mul3A_51, %dma_start3A_86] : memref<65536x128xf32, #tpu.memory_space<hbm>> -> memref<128x128xf32, #tpu.memory_space<hbm>>
        tpu.enqueue_dma source(%arg6 : memref<128x128xf32, #tpu.memory_space<vmem>>) target(%dma_start3A_87 : memref<128x128xf32, #tpu.memory_space<hbm>>) target_semaphore(%run_scoped3A : memref<!tpu.dma_semaphore, #tpu.memory_space<semaphore_mem>>)
        %dma_wait3A_88 = arith.constant 0 : i32
        %dma_wait3A_89 = tpu.memref_slice %arg4[%mul3A_51, %dma_wait3A_88] : memref<65536x128xf32, #tpu.memory_space<hbm>> -> memref<128x128xf32, #tpu.memory_space<hbm>>
        %dma_wait3A_90 = arith.constant 0 : i32
        %dma_wait3A_91 = tpu.memref_slice %arg4[%mul3A_51, %dma_wait3A_90] : memref<65536x128xf32, #tpu.memory_space<hbm>> -> memref<128x128xf32, #tpu.memory_space<hbm>>
        tpu.wait_dma2 semaphore(%run_scoped3A : memref<!tpu.dma_semaphore, #tpu.memory_space<semaphore_mem>>) src(%arg6 : memref<128x128xf32, #tpu.memory_space<vmem>>) dst(%dma_wait3A_91 : memref<128x128xf32, #tpu.memory_space<hbm>>)
        tpu.yield
      }) : () -> ()
      %add3A_52 = arith.constant 2 : i32
      %add3A_53 = arith.addi %mul3A_40, %add3A_52 : i32
      %dma_start3A_54 = arith.constant 0 : i32
      %dma_start3A_55 = tpu.memref_slice %arg5[%add3A_53, %dma_start3A_54] : memref<18x128xi32, #tpu.memory_space<vmem>> -> memref<1x128xi32, #tpu.memory_space<vmem>>
      %dma_start3A_56 = tpu.memref_squeeze %dma_start3A_55 : memref<1x128xi32, #tpu.memory_space<vmem>> -> memref<128xi32, #tpu.memory_space<vmem>>
      %dma_start3A_57 = arith.constant 0 : i32
      %dma_start3A_58 = arith.constant 0 : i32
      %dma_start3A_59 = tpu.memref_slice %arg2[%dma_start3A_57, %dma_start3A_58] : memref<8192x128xf32, #tpu.memory_space<hbm>> -> memref<8192x128xf32, #tpu.memory_space<hbm>>
      tpu.enqueue_indirect_dma source(%dma_start3A_59 : memref<8192x128xf32, #tpu.memory_space<hbm>>) target(%arg6 : memref<128x128xf32, #tpu.memory_space<vmem>>) offsets(%dma_start3A_56 : memref<128xi32, #tpu.memory_space<vmem>>) semaphore(%arg8 : memref<!tpu.dma_semaphore, #tpu.memory_space<semaphore_mem>>)
      %add3A_60 = arith.constant 1 : i32
      %add3A_61 = arith.addi %mul3A_40, %add3A_60 : i32
      %dma_wait3A_62 = arith.constant 0 : i32
      %dma_wait3A_63 = tpu.memref_slice %arg5[%add3A_61, %dma_wait3A_62] : memref<18x128xi32, #tpu.memory_space<vmem>> -> memref<1x128xi32, #tpu.memory_space<vmem>>
      %dma_wait3A_64 = tpu.memref_squeeze %dma_wait3A_63 : memref<1x128xi32, #tpu.memory_space<vmem>> -> memref<128xi32, #tpu.memory_space<vmem>>
      %dma_wait3A_65 = arith.constant 0 : i32
      %dma_wait3A_66 = arith.constant 0 : i32
      %dma_wait3A_67 = tpu.memref_slice %arg2[%dma_wait3A_65, %dma_wait3A_66] : memref<8192x128xf32, #tpu.memory_space<hbm>> -> memref<8192x128xf32, #tpu.memory_space<hbm>>
      tpu.wait_indirect_dma semaphore(%arg9 : memref<!tpu.dma_semaphore, #tpu.memory_space<semaphore_mem>>) src(%dma_wait3A_67 : memref<8192x128xf32, #tpu.memory_space<hbm>>) dst(%arg7 : memref<128x128xf32, #tpu.memory_space<vmem>>)
      %mul3A_68 = arith.constant 16 : i32
      %mul3A_69 = arith.muli %add3A, %mul3A_68 : i32
      %add3A_70 = arith.addi %mul3A_69, %mul3A_40 : i32
      %add3A_71 = arith.constant 1 : i32
      %add3A_72 = arith.addi %add3A_70, %add3A_71 : i32
      %mul3A_73 = arith.constant 128 : i32
      %mul3A_74 = arith.muli %add3A_72, %mul3A_73 : i32
      "tpu.region"() ({
        %run_scoped3A = tpu.sem_alloc : memref<!tpu.dma_semaphore, #tpu.memory_space<semaphore_mem>>
        %dma_start3A_84 = arith.constant 0 : i32
        %dma_start3A_85 = tpu.memref_slice %arg4[%mul3A_74, %dma_start3A_84] : memref<65536x128xf32, #tpu.memory_space<hbm>> -> memref<128x128xf32, #tpu.memory_space<hbm>>
        %dma_start3A_86 = arith.constant 0 : i32
        %dma_start3A_87 = tpu.memref_slice %arg4[%mul3A_74, %dma_start3A_86] : memref<65536x128xf32, #tpu.memory_space<hbm>> -> memref<128x128xf32, #tpu.memory_space<hbm>>
        tpu.enqueue_dma source(%arg7 : memref<128x128xf32, #tpu.memory_space<vmem>>) target(%dma_start3A_87 : memref<128x128xf32, #tpu.memory_space<hbm>>) target_semaphore(%run_scoped3A : memref<!tpu.dma_semaphore, #tpu.memory_space<semaphore_mem>>)
        %dma_wait3A_88 = arith.constant 0 : i32
        %dma_wait3A_89 = tpu.memref_slice %arg4[%mul3A_74, %dma_wait3A_88] : memref<65536x128xf32, #tpu.memory_space<hbm>> -> memref<128x128xf32, #tpu.memory_space<hbm>>
        %dma_wait3A_90 = arith.constant 0 : i32
        %dma_wait3A_91 = tpu.memref_slice %arg4[%mul3A_74, %dma_wait3A_90] : memref<65536x128xf32, #tpu.memory_space<hbm>> -> memref<128x128xf32, #tpu.memory_space<hbm>>
        tpu.wait_dma2 semaphore(%run_scoped3A : memref<!tpu.dma_semaphore, #tpu.memory_space<semaphore_mem>>) src(%arg7 : memref<128x128xf32, #tpu.memory_space<vmem>>) dst(%dma_wait3A_91 : memref<128x128xf32, #tpu.memory_space<hbm>>)
        tpu.yield
      }) : () -> ()
      %add3A_75 = arith.constant 3 : i32
      %add3A_76 = arith.addi %mul3A_40, %add3A_75 : i32
      %dma_start3A_77 = arith.constant 0 : i32
      %dma_start3A_78 = tpu.memref_slice %arg5[%add3A_76, %dma_start3A_77] : memref<18x128xi32, #tpu.memory_space<vmem>> -> memref<1x128xi32, #tpu.memory_space<vmem>>
      %dma_start3A_79 = tpu.memref_squeeze %dma_start3A_78 : memref<1x128xi32, #tpu.memory_space<vmem>> -> memref<128xi32, #tpu.memory_space<vmem>>
      %dma_start3A_80 = arith.constant 0 : i32
      %dma_start3A_81 = arith.constant 0 : i32
      %dma_start3A_82 = tpu.memref_slice %arg2[%dma_start3A_80, %dma_start3A_81] : memref<8192x128xf32, #tpu.memory_space<hbm>> -> memref<8192x128xf32, #tpu.memory_space<hbm>>
      tpu.enqueue_indirect_dma source(%dma_start3A_82 : memref<8192x128xf32, #tpu.memory_space<hbm>>) target(%arg7 : memref<128x128xf32, #tpu.memory_space<vmem>>) offsets(%dma_start3A_79 : memref<128xi32, #tpu.memory_space<vmem>>) semaphore(%arg9 : memref<!tpu.dma_semaphore, #tpu.memory_space<semaphore_mem>>)
      %scan3A_83 = arith.constant 0 : i32
      scf.yield %scan3A_83 : i32
    }
    %scan3A_23 = arith.constant 8 : i32
    %dma_wait3A = arith.constant 16 : i32
    %dma_wait3A_24 = arith.constant 0 : i32
    %dma_wait3A_25 = tpu.memref_slice %arg5[%dma_wait3A, %dma_wait3A_24] : memref<18x128xi32, #tpu.memory_space<vmem>> -> memref<1x128xi32, #tpu.memory_space<vmem>>
    %dma_wait3A_26 = tpu.memref_squeeze %dma_wait3A_25 : memref<1x128xi32, #tpu.memory_space<vmem>> -> memref<128xi32, #tpu.memory_space<vmem>>
    %dma_wait3A_27 = arith.constant 0 : i32
    %dma_wait3A_28 = arith.constant 0 : i32
    %dma_wait3A_29 = tpu.memref_slice %arg2[%dma_wait3A_27, %dma_wait3A_28] : memref<8192x128xf32, #tpu.memory_space<hbm>> -> memref<8192x128xf32, #tpu.memory_space<hbm>>
    tpu.wait_indirect_dma semaphore(%arg8 : memref<!tpu.dma_semaphore, #tpu.memory_space<semaphore_mem>>) src(%dma_wait3A_29 : memref<8192x128xf32, #tpu.memory_space<hbm>>) dst(%arg6 : memref<128x128xf32, #tpu.memory_space<vmem>>)
    %dma_wait3A_30 = arith.constant 17 : i32
    %dma_wait3A_31 = arith.constant 0 : i32
    %dma_wait3A_32 = tpu.memref_slice %arg5[%dma_wait3A_30, %dma_wait3A_31] : memref<18x128xi32, #tpu.memory_space<vmem>> -> memref<1x128xi32, #tpu.memory_space<vmem>>
    %dma_wait3A_33 = tpu.memref_squeeze %dma_wait3A_32 : memref<1x128xi32, #tpu.memory_space<vmem>> -> memref<128xi32, #tpu.memory_space<vmem>>
    %dma_wait3A_34 = arith.constant 0 : i32
    %dma_wait3A_35 = arith.constant 0 : i32
    %dma_wait3A_36 = tpu.memref_slice %arg2[%dma_wait3A_34, %dma_wait3A_35] : memref<8192x128xf32, #tpu.memory_space<hbm>> -> memref<8192x128xf32, #tpu.memory_space<hbm>>
    tpu.wait_indirect_dma semaphore(%arg9 : memref<!tpu.dma_semaphore, #tpu.memory_space<semaphore_mem>>) src(%dma_wait3A_36 : memref<8192x128xf32, #tpu.memory_space<hbm>>) dst(%arg7 : memref<128x128xf32, #tpu.memory_space<vmem>>)
    return
  }
}

#map = affine_map<(d0, d1) -> (0, 0)>
module attributes {stable_mosaic.version = 14 : i64} {
  func.func @k(%arg0: i32, %arg1: i32, %arg2: memref<8192x128xf32, #tpu.memory_space<hbm>>, %arg3: memref<512x128xi32, #tpu.memory_space<hbm>>, %arg4: memref<65536x128xf32, #tpu.memory_space<hbm>>, %arg5: memref<18x128xi32, #tpu.memory_space<vmem>>, %arg6: memref<128x128xf32, #tpu.memory_space<vmem>>, %arg7: memref<128x128xf32, #tpu.memory_space<vmem>>, %arg8: memref<!tpu.dma_semaphore, #tpu.memory_space<semaphore_mem>>, %arg9: memref<!tpu.dma_semaphore, #tpu.memory_space<semaphore_mem>>) attributes {dimension_semantics = [#tpu.dimension_semantics<core_parallel>, #tpu.dimension_semantics<subcore_parallel>], iteration_bounds = array<i64: 2, 16>, scalar_prefetch = 0 : i64, scratch_operands = 5 : i64, tpu.core_type = #tpu.core_type<sc_vector_subcore>, window_params = [{transform_indices = #map}, {transform_indices = #map}, {transform_indices = #map}]} {
    %mul3A = arith.constant 2 : i32
    %mul3A_0 = arith.muli %arg1, %mul3A : i32
    %add3A = arith.addi %mul3A_0, %arg0 : i32
    %mul3A_1 = arith.constant 16 : i32
    %mul3A_2 = arith.muli %add3A, %mul3A_1 : i32
    "tpu.region"() ({
      %run_scoped3A = tpu.sem_alloc : memref<!tpu.dma_semaphore, #tpu.memory_space<semaphore_mem>>
      %dma_start3A_37 = arith.constant 0 : i32
      %dma_start3A_38 = arith.constant 0 : i32
      %dma_start3A_39 = tpu.memref_slice %arg5[%dma_start3A_37, %dma_start3A_38] : memref<18x128xi32, #tpu.memory_space<vmem>> -> memref<16x128xi32, #tpu.memory_space<vmem>>
      %dma_start3A_40 = arith.constant 0 : i32
      %dma_start3A_41 = tpu.memref_slice %arg3[%mul3A_2, %dma_start3A_40] : memref<512x128xi32, #tpu.memory_space<hbm>> -> memref<16x128xi32, #tpu.memory_space<hbm>>
      %dma_start3A_42 = arith.constant 0 : i32
      %dma_start3A_43 = arith.constant 0 : i32
      %dma_start3A_44 = tpu.memref_slice %arg5[%dma_start3A_42, %dma_start3A_43] : memref<18x128xi32, #tpu.memory_space<vmem>> -> memref<16x128xi32, #tpu.memory_space<vmem>>
      %dma_start3A_45 = arith.constant 0 : i32
      %dma_start3A_46 = tpu.memref_slice %arg3[%mul3A_2, %dma_start3A_45] : memref<512x128xi32, #tpu.memory_space<hbm>> -> memref<16x128xi32, #tpu.memory_space<hbm>>
      tpu.enqueue_dma source(%dma_start3A_46 : memref<16x128xi32, #tpu.memory_space<hbm>>) target(%dma_start3A_44 : memref<16x128xi32, #tpu.memory_space<vmem>>) target_semaphore(%run_scoped3A : memref<!tpu.dma_semaphore, #tpu.memory_space<semaphore_mem>>)
      %dma_wait3A_47 = arith.constant 0 : i32
      %dma_wait3A_48 = arith.constant 0 : i32
      %dma_wait3A_49 = tpu.memref_slice %arg5[%dma_wait3A_47, %dma_wait3A_48] : memref<18x128xi32, #tpu.memory_space<vmem>> -> memref<16x128xi32, #tpu.memory_space<vmem>>
      %dma_wait3A_50 = arith.constant 0 : i32
      %dma_wait3A_51 = tpu.memref_slice %arg3[%mul3A_2, %dma_wait3A_50] : memref<512x128xi32, #tpu.memory_space<hbm>> -> memref<16x128xi32, #tpu.memory_space<hbm>>
      %dma_wait3A_52 = arith.constant 0 : i32
      %dma_wait3A_53 = arith.constant 0 : i32
      %dma_wait3A_54 = tpu.memref_slice %arg5[%dma_wait3A_52, %dma_wait3A_53] : memref<18x128xi32, #tpu.memory_space<vmem>> -> memref<16x128xi32, #tpu.memory_space<vmem>>
      %dma_wait3A_55 = arith.constant 0 : i32
      %dma_wait3A_56 = tpu.memref_slice %arg3[%mul3A_2, %dma_wait3A_55] : memref<512x128xi32, #tpu.memory_space<hbm>> -> memref<16x128xi32, #tpu.memory_space<hbm>>
      tpu.wait_dma2 semaphore(%run_scoped3A : memref<!tpu.dma_semaphore, #tpu.memory_space<semaphore_mem>>) src(%dma_wait3A_56 : memref<16x128xi32, #tpu.memory_space<hbm>>) dst(%dma_wait3A_54 : memref<16x128xi32, #tpu.memory_space<vmem>>)
      tpu.yield
    }) : () -> ()
    %mul3A_3 = arith.constant 16 : i32
    %mul3A_4 = arith.muli %add3A, %mul3A_3 : i32
    "tpu.region"() ({
      %run_scoped3A = tpu.sem_alloc : memref<!tpu.dma_semaphore, #tpu.memory_space<semaphore_mem>>
      %dma_start3A_37 = arith.constant 16 : i32
      %dma_start3A_38 = arith.constant 0 : i32
      %dma_start3A_39 = tpu.memref_slice %arg5[%dma_start3A_37, %dma_start3A_38] : memref<18x128xi32, #tpu.memory_space<vmem>> -> memref<2x128xi32, #tpu.memory_space<vmem>>
      %dma_start3A_40 = arith.constant 0 : i32
      %dma_start3A_41 = tpu.memref_slice %arg3[%mul3A_4, %dma_start3A_40] : memref<512x128xi32, #tpu.memory_space<hbm>> -> memref<2x128xi32, #tpu.memory_space<hbm>>
      %dma_start3A_42 = arith.constant 16 : i32
      %dma_start3A_43 = arith.constant 0 : i32
      %dma_start3A_44 = tpu.memref_slice %arg5[%dma_start3A_42, %dma_start3A_43] : memref<18x128xi32, #tpu.memory_space<vmem>> -> memref<2x128xi32, #tpu.memory_space<vmem>>
      %dma_start3A_45 = arith.constant 0 : i32
      %dma_start3A_46 = tpu.memref_slice %arg3[%mul3A_4, %dma_start3A_45] : memref<512x128xi32, #tpu.memory_space<hbm>> -> memref<2x128xi32, #tpu.memory_space<hbm>>
      tpu.enqueue_dma source(%dma_start3A_46 : memref<2x128xi32, #tpu.memory_space<hbm>>) target(%dma_start3A_44 : memref<2x128xi32, #tpu.memory_space<vmem>>) target_semaphore(%run_scoped3A : memref<!tpu.dma_semaphore, #tpu.memory_space<semaphore_mem>>)
      %dma_wait3A_47 = arith.constant 16 : i32
      %dma_wait3A_48 = arith.constant 0 : i32
      %dma_wait3A_49 = tpu.memref_slice %arg5[%dma_wait3A_47, %dma_wait3A_48] : memref<18x128xi32, #tpu.memory_space<vmem>> -> memref<2x128xi32, #tpu.memory_space<vmem>>
      %dma_wait3A_50 = arith.constant 0 : i32
      %dma_wait3A_51 = tpu.memref_slice %arg3[%mul3A_4, %dma_wait3A_50] : memref<512x128xi32, #tpu.memory_space<hbm>> -> memref<2x128xi32, #tpu.memory_space<hbm>>
      %dma_wait3A_52 = arith.constant 16 : i32
      %dma_wait3A_53 = arith.constant 0 : i32
      %dma_wait3A_54 = tpu.memref_slice %arg5[%dma_wait3A_52, %dma_wait3A_53] : memref<18x128xi32, #tpu.memory_space<vmem>> -> memref<2x128xi32, #tpu.memory_space<vmem>>
      %dma_wait3A_55 = arith.constant 0 : i32
      %dma_wait3A_56 = tpu.memref_slice %arg3[%mul3A_4, %dma_wait3A_55] : memref<512x128xi32, #tpu.memory_space<hbm>> -> memref<2x128xi32, #tpu.memory_space<hbm>>
      tpu.wait_dma2 semaphore(%run_scoped3A : memref<!tpu.dma_semaphore, #tpu.memory_space<semaphore_mem>>) src(%dma_wait3A_56 : memref<2x128xi32, #tpu.memory_space<hbm>>) dst(%dma_wait3A_54 : memref<2x128xi32, #tpu.memory_space<vmem>>)
      tpu.yield
    }) : () -> ()
    %dma_start3A = arith.constant 0 : i32
    %dma_start3A_5 = arith.constant 0 : i32
    %dma_start3A_6 = tpu.memref_slice %arg5[%dma_start3A, %dma_start3A_5] : memref<18x128xi32, #tpu.memory_space<vmem>> -> memref<1x128xi32, #tpu.memory_space<vmem>>
    %dma_start3A_7 = tpu.memref_squeeze %dma_start3A_6 : memref<1x128xi32, #tpu.memory_space<vmem>> -> memref<128xi32, #tpu.memory_space<vmem>>
    %dma_start3A_8 = arith.constant 0 : i32
    %dma_start3A_9 = arith.constant 0 : i32
    %dma_start3A_10 = tpu.memref_slice %arg2[%dma_start3A_8, %dma_start3A_9] : memref<8192x128xf32, #tpu.memory_space<hbm>> -> memref<8192x128xf32, #tpu.memory_space<hbm>>
    tpu.enqueue_indirect_dma source(%dma_start3A_10 : memref<8192x128xf32, #tpu.memory_space<hbm>>) target(%arg6 : memref<128x128xf32, #tpu.memory_space<vmem>>) offsets(%dma_start3A_7 : memref<128xi32, #tpu.memory_space<vmem>>) semaphore(%arg8 : memref<!tpu.dma_semaphore, #tpu.memory_space<semaphore_mem>>)
    %dma_start3A_11 = arith.constant 1 : i32
    %dma_start3A_12 = arith.constant 0 : i32
    %dma_start3A_13 = tpu.memref_slice %arg5[%dma_start3A_11, %dma_start3A_12] : memref<18x128xi32, #tpu.memory_space<vmem>> -> memref<1x128xi32, #tpu.memory_space<vmem>>
    %dma_start3A_14 = tpu.memref_squeeze %dma_start3A_13 : memref<1x128xi32, #tpu.memory_space<vmem>> -> memref<128xi32, #tpu.memory_space<vmem>>
    %dma_start3A_15 = arith.constant 0 : i32
    %dma_start3A_16 = arith.constant 0 : i32
    %dma_start3A_17 = tpu.memref_slice %arg2[%dma_start3A_15, %dma_start3A_16] : memref<8192x128xf32, #tpu.memory_space<hbm>> -> memref<8192x128xf32, #tpu.memory_space<hbm>>
    tpu.enqueue_indirect_dma source(%dma_start3A_17 : memref<8192x128xf32, #tpu.memory_space<hbm>>) target(%arg7 : memref<128x128xf32, #tpu.memory_space<vmem>>) offsets(%dma_start3A_14 : memref<128xi32, #tpu.memory_space<vmem>>) semaphore(%arg9 : memref<!tpu.dma_semaphore, #tpu.memory_space<semaphore_mem>>)
    %scan3A = arith.constant 0 : i32
    %scan3A_18 = arith.constant 0 : i32
    %scan3A_19 = arith.constant 8 : i32
    %scan3A_20 = arith.addi %scan3A_18, %scan3A_19 : i32
    %scan3A_21 = arith.constant 1 : i32
    %scan3A_22 = scf.for %scan3A_37 = %scan3A_18 to %scan3A_20 step %scan3A_21 iter_args(%scan3A_38 = %scan3A) -> (i32)  : i32 {
      %mul3A_39 = arith.constant 2 : i32
      %mul3A_40 = arith.muli %mul3A_39, %scan3A_37 : i32
      %dma_wait3A_41 = arith.constant 0 : i32
      %dma_wait3A_42 = tpu.memref_slice %arg5[%mul3A_40, %dma_wait3A_41] : memref<18x128xi32, #tpu.memory_space<vmem>> -> memref<1x128xi32, #tpu.memory_space<vmem>>
      %dma_wait3A_43 = tpu.memref_squeeze %dma_wait3A_42 : memref<1x128xi32, #tpu.memory_space<vmem>> -> memref<128xi32, #tpu.memory_space<vmem>>
      %dma_wait3A_44 = arith.constant 0 : i32
      %dma_wait3A_45 = arith.constant 0 : i32
      %dma_wait3A_46 = tpu.memref_slice %arg2[%dma_wait3A_44, %dma_wait3A_45] : memref<8192x128xf32, #tpu.memory_space<hbm>> -> memref<8192x128xf32, #tpu.memory_space<hbm>>
      tpu.wait_indirect_dma semaphore(%arg8 : memref<!tpu.dma_semaphore, #tpu.memory_space<semaphore_mem>>) src(%dma_wait3A_46 : memref<8192x128xf32, #tpu.memory_space<hbm>>) dst(%arg6 : memref<128x128xf32, #tpu.memory_space<vmem>>)
      %mul3A_47 = arith.constant 16 : i32
      %mul3A_48 = arith.muli %add3A, %mul3A_47 : i32
      %add3A_49 = arith.addi %mul3A_48, %mul3A_40 : i32
      %mul3A_50 = arith.constant 128 : i32
      %mul3A_51 = arith.muli %add3A_49, %mul3A_50 : i32
      "tpu.region"() ({
        %run_scoped3A = tpu.sem_alloc : memref<!tpu.dma_semaphore, #tpu.memory_space<semaphore_mem>>
        %dma_start3A_84 = arith.constant 0 : i32
        %dma_start3A_85 = tpu.memref_slice %arg4[%mul3A_51, %dma_start3A_84] : memref<65536x128xf32, #tpu.memory_space<hbm>> -> memref<128x128xf32, #tpu.memory_space<hbm>>
        %dma_start3A_86 = arith.constant 0 : i32
        %dma_start3A_87 = tpu.memref_slice %arg4[%mul3A_51, %dma_start3A_86] : memref<65536x128xf32, #tpu.memory_space<hbm>> -> memref<128x128xf32, #tpu.memory_space<hbm>>
        tpu.enqueue_dma source(%arg6 : memref<128x128xf32, #tpu.memory_space<vmem>>) target(%dma_start3A_87 : memref<128x128xf32, #tpu.memory_space<hbm>>) target_semaphore(%run_scoped3A : memref<!tpu.dma_semaphore, #tpu.memory_space<semaphore_mem>>)
        %dma_wait3A_88 = arith.constant 0 : i32
        %dma_wait3A_89 = tpu.memref_slice %arg4[%mul3A_51, %dma_wait3A_88] : memref<65536x128xf32, #tpu.memory_space<hbm>> -> memref<128x128xf32, #tpu.memory_space<hbm>>
        %dma_wait3A_90 = arith.constant 0 : i32
        %dma_wait3A_91 = tpu.memref_slice %arg4[%mul3A_51, %dma_wait3A_90] : memref<65536x128xf32, #tpu.memory_space<hbm>> -> memref<128x128xf32, #tpu.memory_space<hbm>>
        tpu.wait_dma2 semaphore(%run_scoped3A : memref<!tpu.dma_semaphore, #tpu.memory_space<semaphore_mem>>) src(%arg6 : memref<128x128xf32, #tpu.memory_space<vmem>>) dst(%dma_wait3A_91 : memref<128x128xf32, #tpu.memory_space<hbm>>)
        tpu.yield
      }) : () -> ()
      %add3A_52 = arith.constant 2 : i32
      %add3A_53 = arith.addi %mul3A_40, %add3A_52 : i32
      %dma_start3A_54 = arith.constant 0 : i32
      %dma_start3A_55 = tpu.memref_slice %arg5[%add3A_53, %dma_start3A_54] : memref<18x128xi32, #tpu.memory_space<vmem>> -> memref<1x128xi32, #tpu.memory_space<vmem>>
      %dma_start3A_56 = tpu.memref_squeeze %dma_start3A_55 : memref<1x128xi32, #tpu.memory_space<vmem>> -> memref<128xi32, #tpu.memory_space<vmem>>
      %dma_start3A_57 = arith.constant 0 : i32
      %dma_start3A_58 = arith.constant 0 : i32
      %dma_start3A_59 = tpu.memref_slice %arg2[%dma_start3A_57, %dma_start3A_58] : memref<8192x128xf32, #tpu.memory_space<hbm>> -> memref<8192x128xf32, #tpu.memory_space<hbm>>
      tpu.enqueue_indirect_dma source(%dma_start3A_59 : memref<8192x128xf32, #tpu.memory_space<hbm>>) target(%arg6 : memref<128x128xf32, #tpu.memory_space<vmem>>) offsets(%dma_start3A_56 : memref<128xi32, #tpu.memory_space<vmem>>) semaphore(%arg8 : memref<!tpu.dma_semaphore, #tpu.memory_space<semaphore_mem>>)
      %add3A_60 = arith.constant 1 : i32
      %add3A_61 = arith.addi %mul3A_40, %add3A_60 : i32
      %dma_wait3A_62 = arith.constant 0 : i32
      %dma_wait3A_63 = tpu.memref_slice %arg5[%add3A_61, %dma_wait3A_62] : memref<18x128xi32, #tpu.memory_space<vmem>> -> memref<1x128xi32, #tpu.memory_space<vmem>>
      %dma_wait3A_64 = tpu.memref_squeeze %dma_wait3A_63 : memref<1x128xi32, #tpu.memory_space<vmem>> -> memref<128xi32, #tpu.memory_space<vmem>>
      %dma_wait3A_65 = arith.constant 0 : i32
      %dma_wait3A_66 = arith.constant 0 : i32
      %dma_wait3A_67 = tpu.memref_slice %arg2[%dma_wait3A_65, %dma_wait3A_66] : memref<8192x128xf32, #tpu.memory_space<hbm>> -> memref<8192x128xf32, #tpu.memory_space<hbm>>
      tpu.wait_indirect_dma semaphore(%arg9 : memref<!tpu.dma_semaphore, #tpu.memory_space<semaphore_mem>>) src(%dma_wait3A_67 : memref<8192x128xf32, #tpu.memory_space<hbm>>) dst(%arg7 : memref<128x128xf32, #tpu.memory_space<vmem>>)
      %mul3A_68 = arith.constant 16 : i32
      %mul3A_69 = arith.muli %add3A, %mul3A_68 : i32
      %add3A_70 = arith.addi %mul3A_69, %mul3A_40 : i32
      %add3A_71 = arith.constant 1 : i32
      %add3A_72 = arith.addi %add3A_70, %add3A_71 : i32
      %mul3A_73 = arith.constant 128 : i32
      %mul3A_74 = arith.muli %add3A_72, %mul3A_73 : i32
      "tpu.region"() ({
        %run_scoped3A = tpu.sem_alloc : memref<!tpu.dma_semaphore, #tpu.memory_space<semaphore_mem>>
        %dma_start3A_84 = arith.constant 0 : i32
        %dma_start3A_85 = tpu.memref_slice %arg4[%mul3A_74, %dma_start3A_84] : memref<65536x128xf32, #tpu.memory_space<hbm>> -> memref<128x128xf32, #tpu.memory_space<hbm>>
        %dma_start3A_86 = arith.constant 0 : i32
        %dma_start3A_87 = tpu.memref_slice %arg4[%mul3A_74, %dma_start3A_86] : memref<65536x128xf32, #tpu.memory_space<hbm>> -> memref<128x128xf32, #tpu.memory_space<hbm>>
        tpu.enqueue_dma source(%arg7 : memref<128x128xf32, #tpu.memory_space<vmem>>) target(%dma_start3A_87 : memref<128x128xf32, #tpu.memory_space<hbm>>) target_semaphore(%run_scoped3A : memref<!tpu.dma_semaphore, #tpu.memory_space<semaphore_mem>>)
        %dma_wait3A_88 = arith.constant 0 : i32
        %dma_wait3A_89 = tpu.memref_slice %arg4[%mul3A_74, %dma_wait3A_88] : memref<65536x128xf32, #tpu.memory_space<hbm>> -> memref<128x128xf32, #tpu.memory_space<hbm>>
        %dma_wait3A_90 = arith.constant 0 : i32
        %dma_wait3A_91 = tpu.memref_slice %arg4[%mul3A_74, %dma_wait3A_90] : memref<65536x128xf32, #tpu.memory_space<hbm>> -> memref<128x128xf32, #tpu.memory_space<hbm>>
        tpu.wait_dma2 semaphore(%run_scoped3A : memref<!tpu.dma_semaphore, #tpu.memory_space<semaphore_mem>>) src(%arg7 : memref<128x128xf32, #tpu.memory_space<vmem>>) dst(%dma_wait3A_91 : memref<128x128xf32, #tpu.memory_space<hbm>>)
        tpu.yield
      }) : () -> ()
      %add3A_75 = arith.constant 3 : i32
      %add3A_76 = arith.addi %mul3A_40, %add3A_75 : i32
      %dma_start3A_77 = arith.constant 0 : i32
      %dma_start3A_78 = tpu.memref_slice %arg5[%add3A_76, %dma_start3A_77] : memref<18x128xi32, #tpu.memory_space<vmem>> -> memref<1x128xi32, #tpu.memory_space<vmem>>
      %dma_start3A_79 = tpu.memref_squeeze %dma_start3A_78 : memref<1x128xi32, #tpu.memory_space<vmem>> -> memref<128xi32, #tpu.memory_space<vmem>>
      %dma_start3A_80 = arith.constant 0 : i32
      %dma_start3A_81 = arith.constant 0 : i32
      %dma_start3A_82 = tpu.memref_slice %arg2[%dma_start3A_80, %dma_start3A_81] : memref<8192x128xf32, #tpu.memory_space<hbm>> -> memref<8192x128xf32, #tpu.memory_space<hbm>>
      tpu.enqueue_indirect_dma source(%dma_start3A_82 : memref<8192x128xf32, #tpu.memory_space<hbm>>) target(%arg7 : memref<128x128xf32, #tpu.memory_space<vmem>>) offsets(%dma_start3A_79 : memref<128xi32, #tpu.memory_space<vmem>>) semaphore(%arg9 : memref<!tpu.dma_semaphore, #tpu.memory_space<semaphore_mem>>)
      %scan3A_83 = arith.constant 0 : i32
      scf.yield %scan3A_83 : i32
    }
    %scan3A_23 = arith.constant 8 : i32
    %dma_wait3A = arith.constant 16 : i32
    %dma_wait3A_24 = arith.constant 0 : i32
    %dma_wait3A_25 = tpu.memref_slice %arg5[%dma_wait3A, %dma_wait3A_24] : memref<18x128xi32, #tpu.memory_space<vmem>> -> memref<1x128xi32, #tpu.memory_space<vmem>>
    %dma_wait3A_26 = tpu.memref_squeeze %dma_wait3A_25 : memref<1x128xi32, #tpu.memory_space<vmem>> -> memref<128xi32, #tpu.memory_space<vmem>>
    %dma_wait3A_27 = arith.constant 0 : i32
    %dma_wait3A_28 = arith.constant 0 : i32
    %dma_wait3A_29 = tpu.memref_slice %arg2[%dma_wait3A_27, %dma_wait3A_28] : memref<8192x128xf32, #tpu.memory_space<hbm>> -> memref<8192x128xf32, #tpu.memory_space<hbm>>
    tpu.wait_indirect_dma semaphore(%arg8 : memref<!tpu.dma_semaphore, #tpu.memory_space<semaphore_mem>>) src(%dma_wait3A_29 : memref<8192x128xf32, #tpu.memory_space<hbm>>) dst(%arg6 : memref<128x128xf32, #tpu.memory_space<vmem>>)
    %dma_wait3A_30 = arith.constant 17 : i32
    %dma_wait3A_31 = arith.constant 0 : i32
    %dma_wait3A_32 = tpu.memref_slice %arg5[%dma_wait3A_30, %dma_wait3A_31] : memref<18x128xi32, #tpu.memory_space<vmem>> -> memref<1x128xi32, #tpu.memory_space<vmem>>
    %dma_wait3A_33 = tpu.memref_squeeze %dma_wait3A_32 : memref<1x128xi32, #tpu.memory_space<vmem>> -> memref<128xi32, #tpu.memory_space<vmem>>
    %dma_wait3A_34 = arith.constant 0 : i32
    %dma_wait3A_35 = arith.constant 0 : i32
    %dma_wait3A_36 = tpu.memref_slice %arg2[%dma_wait3A_34, %dma_wait3A_35] : memref<8192x128xf32, #tpu.memory_space<hbm>> -> memref<8192x128xf32, #tpu.memory_space<hbm>>
    tpu.wait_indirect_dma semaphore(%arg9 : memref<!tpu.dma_semaphore, #tpu.memory_space<semaphore_mem>>) src(%dma_wait3A_36 : memref<8192x128xf32, #tpu.memory_space<hbm>>) dst(%arg7 : memref<128x128xf32, #tpu.memory_space<vmem>>)
    return
  }
}

#map = affine_map<(d0, d1) -> (0, 0)>
module attributes {stable_mosaic.version = 14 : i64} {
  func.func @k(%arg0: i32, %arg1: i32, %arg2: memref<8192x128xf32, #tpu.memory_space<hbm>>, %arg3: memref<512x128xi32, #tpu.memory_space<hbm>>, %arg4: memref<65536x128xf32, #tpu.memory_space<hbm>>, %arg5: memref<18x128xi32, #tpu.memory_space<vmem>>, %arg6: memref<128x128xf32, #tpu.memory_space<vmem>>, %arg7: memref<128x128xf32, #tpu.memory_space<vmem>>, %arg8: memref<!tpu.dma_semaphore, #tpu.memory_space<semaphore_mem>>, %arg9: memref<!tpu.dma_semaphore, #tpu.memory_space<semaphore_mem>>) attributes {dimension_semantics = [#tpu.dimension_semantics<core_parallel>, #tpu.dimension_semantics<subcore_parallel>], iteration_bounds = array<i64: 2, 16>, scalar_prefetch = 0 : i64, scratch_operands = 5 : i64, tpu.core_type = #tpu.core_type<sc_vector_subcore>, window_params = [{transform_indices = #map}, {transform_indices = #map}, {transform_indices = #map}]} {
    %mul3A = arith.constant 2 : i32
    %mul3A_0 = arith.muli %arg1, %mul3A : i32
    %add3A = arith.addi %mul3A_0, %arg0 : i32
    %mul3A_1 = arith.constant 16 : i32
    %mul3A_2 = arith.muli %add3A, %mul3A_1 : i32
    "tpu.region"() ({
      %run_scoped3A = tpu.sem_alloc : memref<!tpu.dma_semaphore, #tpu.memory_space<semaphore_mem>>
      %dma_start3A_37 = arith.constant 0 : i32
      %dma_start3A_38 = arith.constant 0 : i32
      %dma_start3A_39 = tpu.memref_slice %arg5[%dma_start3A_37, %dma_start3A_38] : memref<18x128xi32, #tpu.memory_space<vmem>> -> memref<16x128xi32, #tpu.memory_space<vmem>>
      %dma_start3A_40 = arith.constant 0 : i32
      %dma_start3A_41 = tpu.memref_slice %arg3[%mul3A_2, %dma_start3A_40] : memref<512x128xi32, #tpu.memory_space<hbm>> -> memref<16x128xi32, #tpu.memory_space<hbm>>
      %dma_start3A_42 = arith.constant 0 : i32
      %dma_start3A_43 = arith.constant 0 : i32
      %dma_start3A_44 = tpu.memref_slice %arg5[%dma_start3A_42, %dma_start3A_43] : memref<18x128xi32, #tpu.memory_space<vmem>> -> memref<16x128xi32, #tpu.memory_space<vmem>>
      %dma_start3A_45 = arith.constant 0 : i32
      %dma_start3A_46 = tpu.memref_slice %arg3[%mul3A_2, %dma_start3A_45] : memref<512x128xi32, #tpu.memory_space<hbm>> -> memref<16x128xi32, #tpu.memory_space<hbm>>
      tpu.enqueue_dma source(%dma_start3A_46 : memref<16x128xi32, #tpu.memory_space<hbm>>) target(%dma_start3A_44 : memref<16x128xi32, #tpu.memory_space<vmem>>) target_semaphore(%run_scoped3A : memref<!tpu.dma_semaphore, #tpu.memory_space<semaphore_mem>>)
      %dma_wait3A_47 = arith.constant 0 : i32
      %dma_wait3A_48 = arith.constant 0 : i32
      %dma_wait3A_49 = tpu.memref_slice %arg5[%dma_wait3A_47, %dma_wait3A_48] : memref<18x128xi32, #tpu.memory_space<vmem>> -> memref<16x128xi32, #tpu.memory_space<vmem>>
      %dma_wait3A_50 = arith.constant 0 : i32
      %dma_wait3A_51 = tpu.memref_slice %arg3[%mul3A_2, %dma_wait3A_50] : memref<512x128xi32, #tpu.memory_space<hbm>> -> memref<16x128xi32, #tpu.memory_space<hbm>>
      %dma_wait3A_52 = arith.constant 0 : i32
      %dma_wait3A_53 = arith.constant 0 : i32
      %dma_wait3A_54 = tpu.memref_slice %arg5[%dma_wait3A_52, %dma_wait3A_53] : memref<18x128xi32, #tpu.memory_space<vmem>> -> memref<16x128xi32, #tpu.memory_space<vmem>>
      %dma_wait3A_55 = arith.constant 0 : i32
      %dma_wait3A_56 = tpu.memref_slice %arg3[%mul3A_2, %dma_wait3A_55] : memref<512x128xi32, #tpu.memory_space<hbm>> -> memref<16x128xi32, #tpu.memory_space<hbm>>
      tpu.wait_dma2 semaphore(%run_scoped3A : memref<!tpu.dma_semaphore, #tpu.memory_space<semaphore_mem>>) src(%dma_wait3A_56 : memref<16x128xi32, #tpu.memory_space<hbm>>) dst(%dma_wait3A_54 : memref<16x128xi32, #tpu.memory_space<vmem>>)
      tpu.yield
    }) : () -> ()
    %mul3A_3 = arith.constant 16 : i32
    %mul3A_4 = arith.muli %add3A, %mul3A_3 : i32
    "tpu.region"() ({
      %run_scoped3A = tpu.sem_alloc : memref<!tpu.dma_semaphore, #tpu.memory_space<semaphore_mem>>
      %dma_start3A_37 = arith.constant 16 : i32
      %dma_start3A_38 = arith.constant 0 : i32
      %dma_start3A_39 = tpu.memref_slice %arg5[%dma_start3A_37, %dma_start3A_38] : memref<18x128xi32, #tpu.memory_space<vmem>> -> memref<2x128xi32, #tpu.memory_space<vmem>>
      %dma_start3A_40 = arith.constant 0 : i32
      %dma_start3A_41 = tpu.memref_slice %arg3[%mul3A_4, %dma_start3A_40] : memref<512x128xi32, #tpu.memory_space<hbm>> -> memref<2x128xi32, #tpu.memory_space<hbm>>
      %dma_start3A_42 = arith.constant 16 : i32
      %dma_start3A_43 = arith.constant 0 : i32
      %dma_start3A_44 = tpu.memref_slice %arg5[%dma_start3A_42, %dma_start3A_43] : memref<18x128xi32, #tpu.memory_space<vmem>> -> memref<2x128xi32, #tpu.memory_space<vmem>>
      %dma_start3A_45 = arith.constant 0 : i32
      %dma_start3A_46 = tpu.memref_slice %arg3[%mul3A_4, %dma_start3A_45] : memref<512x128xi32, #tpu.memory_space<hbm>> -> memref<2x128xi32, #tpu.memory_space<hbm>>
      tpu.enqueue_dma source(%dma_start3A_46 : memref<2x128xi32, #tpu.memory_space<hbm>>) target(%dma_start3A_44 : memref<2x128xi32, #tpu.memory_space<vmem>>) target_semaphore(%run_scoped3A : memref<!tpu.dma_semaphore, #tpu.memory_space<semaphore_mem>>)
      %dma_wait3A_47 = arith.constant 16 : i32
      %dma_wait3A_48 = arith.constant 0 : i32
      %dma_wait3A_49 = tpu.memref_slice %arg5[%dma_wait3A_47, %dma_wait3A_48] : memref<18x128xi32, #tpu.memory_space<vmem>> -> memref<2x128xi32, #tpu.memory_space<vmem>>
      %dma_wait3A_50 = arith.constant 0 : i32
      %dma_wait3A_51 = tpu.memref_slice %arg3[%mul3A_4, %dma_wait3A_50] : memref<512x128xi32, #tpu.memory_space<hbm>> -> memref<2x128xi32, #tpu.memory_space<hbm>>
      %dma_wait3A_52 = arith.constant 16 : i32
      %dma_wait3A_53 = arith.constant 0 : i32
      %dma_wait3A_54 = tpu.memref_slice %arg5[%dma_wait3A_52, %dma_wait3A_53] : memref<18x128xi32, #tpu.memory_space<vmem>> -> memref<2x128xi32, #tpu.memory_space<vmem>>
      %dma_wait3A_55 = arith.constant 0 : i32
      %dma_wait3A_56 = tpu.memref_slice %arg3[%mul3A_4, %dma_wait3A_55] : memref<512x128xi32, #tpu.memory_space<hbm>> -> memref<2x128xi32, #tpu.memory_space<hbm>>
      tpu.wait_dma2 semaphore(%run_scoped3A : memref<!tpu.dma_semaphore, #tpu.memory_space<semaphore_mem>>) src(%dma_wait3A_56 : memref<2x128xi32, #tpu.memory_space<hbm>>) dst(%dma_wait3A_54 : memref<2x128xi32, #tpu.memory_space<vmem>>)
      tpu.yield
    }) : () -> ()
    %dma_start3A = arith.constant 0 : i32
    %dma_start3A_5 = arith.constant 0 : i32
    %dma_start3A_6 = tpu.memref_slice %arg5[%dma_start3A, %dma_start3A_5] : memref<18x128xi32, #tpu.memory_space<vmem>> -> memref<1x128xi32, #tpu.memory_space<vmem>>
    %dma_start3A_7 = tpu.memref_squeeze %dma_start3A_6 : memref<1x128xi32, #tpu.memory_space<vmem>> -> memref<128xi32, #tpu.memory_space<vmem>>
    %dma_start3A_8 = arith.constant 0 : i32
    %dma_start3A_9 = arith.constant 0 : i32
    %dma_start3A_10 = tpu.memref_slice %arg2[%dma_start3A_8, %dma_start3A_9] : memref<8192x128xf32, #tpu.memory_space<hbm>> -> memref<8192x128xf32, #tpu.memory_space<hbm>>
    tpu.enqueue_indirect_dma source(%dma_start3A_10 : memref<8192x128xf32, #tpu.memory_space<hbm>>) target(%arg6 : memref<128x128xf32, #tpu.memory_space<vmem>>) offsets(%dma_start3A_7 : memref<128xi32, #tpu.memory_space<vmem>>) semaphore(%arg8 : memref<!tpu.dma_semaphore, #tpu.memory_space<semaphore_mem>>)
    %dma_start3A_11 = arith.constant 1 : i32
    %dma_start3A_12 = arith.constant 0 : i32
    %dma_start3A_13 = tpu.memref_slice %arg5[%dma_start3A_11, %dma_start3A_12] : memref<18x128xi32, #tpu.memory_space<vmem>> -> memref<1x128xi32, #tpu.memory_space<vmem>>
    %dma_start3A_14 = tpu.memref_squeeze %dma_start3A_13 : memref<1x128xi32, #tpu.memory_space<vmem>> -> memref<128xi32, #tpu.memory_space<vmem>>
    %dma_start3A_15 = arith.constant 0 : i32
    %dma_start3A_16 = arith.constant 0 : i32
    %dma_start3A_17 = tpu.memref_slice %arg2[%dma_start3A_15, %dma_start3A_16] : memref<8192x128xf32, #tpu.memory_space<hbm>> -> memref<8192x128xf32, #tpu.memory_space<hbm>>
    tpu.enqueue_indirect_dma source(%dma_start3A_17 : memref<8192x128xf32, #tpu.memory_space<hbm>>) target(%arg7 : memref<128x128xf32, #tpu.memory_space<vmem>>) offsets(%dma_start3A_14 : memref<128xi32, #tpu.memory_space<vmem>>) semaphore(%arg9 : memref<!tpu.dma_semaphore, #tpu.memory_space<semaphore_mem>>)
    %scan3A = arith.constant 0 : i32
    %scan3A_18 = arith.constant 0 : i32
    %scan3A_19 = arith.constant 8 : i32
    %scan3A_20 = arith.addi %scan3A_18, %scan3A_19 : i32
    %scan3A_21 = arith.constant 1 : i32
    %scan3A_22 = scf.for %scan3A_37 = %scan3A_18 to %scan3A_20 step %scan3A_21 iter_args(%scan3A_38 = %scan3A) -> (i32)  : i32 {
      %mul3A_39 = arith.constant 2 : i32
      %mul3A_40 = arith.muli %mul3A_39, %scan3A_37 : i32
      %dma_wait3A_41 = arith.constant 0 : i32
      %dma_wait3A_42 = tpu.memref_slice %arg5[%mul3A_40, %dma_wait3A_41] : memref<18x128xi32, #tpu.memory_space<vmem>> -> memref<1x128xi32, #tpu.memory_space<vmem>>
      %dma_wait3A_43 = tpu.memref_squeeze %dma_wait3A_42 : memref<1x128xi32, #tpu.memory_space<vmem>> -> memref<128xi32, #tpu.memory_space<vmem>>
      %dma_wait3A_44 = arith.constant 0 : i32
      %dma_wait3A_45 = arith.constant 0 : i32
      %dma_wait3A_46 = tpu.memref_slice %arg2[%dma_wait3A_44, %dma_wait3A_45] : memref<8192x128xf32, #tpu.memory_space<hbm>> -> memref<8192x128xf32, #tpu.memory_space<hbm>>
      tpu.wait_indirect_dma semaphore(%arg8 : memref<!tpu.dma_semaphore, #tpu.memory_space<semaphore_mem>>) src(%dma_wait3A_46 : memref<8192x128xf32, #tpu.memory_space<hbm>>) dst(%arg6 : memref<128x128xf32, #tpu.memory_space<vmem>>)
      %mul3A_47 = arith.constant 16 : i32
      %mul3A_48 = arith.muli %add3A, %mul3A_47 : i32
      %add3A_49 = arith.addi %mul3A_48, %mul3A_40 : i32
      %mul3A_50 = arith.constant 128 : i32
      %mul3A_51 = arith.muli %add3A_49, %mul3A_50 : i32
      "tpu.region"() ({
        %run_scoped3A = tpu.sem_alloc : memref<!tpu.dma_semaphore, #tpu.memory_space<semaphore_mem>>
        %dma_start3A_84 = arith.constant 0 : i32
        %dma_start3A_85 = tpu.memref_slice %arg4[%mul3A_51, %dma_start3A_84] : memref<65536x128xf32, #tpu.memory_space<hbm>> -> memref<128x128xf32, #tpu.memory_space<hbm>>
        %dma_start3A_86 = arith.constant 0 : i32
        %dma_start3A_87 = tpu.memref_slice %arg4[%mul3A_51, %dma_start3A_86] : memref<65536x128xf32, #tpu.memory_space<hbm>> -> memref<128x128xf32, #tpu.memory_space<hbm>>
        tpu.enqueue_dma source(%arg6 : memref<128x128xf32, #tpu.memory_space<vmem>>) target(%dma_start3A_87 : memref<128x128xf32, #tpu.memory_space<hbm>>) target_semaphore(%run_scoped3A : memref<!tpu.dma_semaphore, #tpu.memory_space<semaphore_mem>>)
        %dma_wait3A_88 = arith.constant 0 : i32
        %dma_wait3A_89 = tpu.memref_slice %arg4[%mul3A_51, %dma_wait3A_88] : memref<65536x128xf32, #tpu.memory_space<hbm>> -> memref<128x128xf32, #tpu.memory_space<hbm>>
        %dma_wait3A_90 = arith.constant 0 : i32
        %dma_wait3A_91 = tpu.memref_slice %arg4[%mul3A_51, %dma_wait3A_90] : memref<65536x128xf32, #tpu.memory_space<hbm>> -> memref<128x128xf32, #tpu.memory_space<hbm>>
        tpu.wait_dma2 semaphore(%run_scoped3A : memref<!tpu.dma_semaphore, #tpu.memory_space<semaphore_mem>>) src(%arg6 : memref<128x128xf32, #tpu.memory_space<vmem>>) dst(%dma_wait3A_91 : memref<128x128xf32, #tpu.memory_space<hbm>>)
        tpu.yield
      }) : () -> ()
      %add3A_52 = arith.constant 2 : i32
      %add3A_53 = arith.addi %mul3A_40, %add3A_52 : i32
      %dma_start3A_54 = arith.constant 0 : i32
      %dma_start3A_55 = tpu.memref_slice %arg5[%add3A_53, %dma_start3A_54] : memref<18x128xi32, #tpu.memory_space<vmem>> -> memref<1x128xi32, #tpu.memory_space<vmem>>
      %dma_start3A_56 = tpu.memref_squeeze %dma_start3A_55 : memref<1x128xi32, #tpu.memory_space<vmem>> -> memref<128xi32, #tpu.memory_space<vmem>>
      %dma_start3A_57 = arith.constant 0 : i32
      %dma_start3A_58 = arith.constant 0 : i32
      %dma_start3A_59 = tpu.memref_slice %arg2[%dma_start3A_57, %dma_start3A_58] : memref<8192x128xf32, #tpu.memory_space<hbm>> -> memref<8192x128xf32, #tpu.memory_space<hbm>>
      tpu.enqueue_indirect_dma source(%dma_start3A_59 : memref<8192x128xf32, #tpu.memory_space<hbm>>) target(%arg6 : memref<128x128xf32, #tpu.memory_space<vmem>>) offsets(%dma_start3A_56 : memref<128xi32, #tpu.memory_space<vmem>>) semaphore(%arg8 : memref<!tpu.dma_semaphore, #tpu.memory_space<semaphore_mem>>)
      %add3A_60 = arith.constant 1 : i32
      %add3A_61 = arith.addi %mul3A_40, %add3A_60 : i32
      %dma_wait3A_62 = arith.constant 0 : i32
      %dma_wait3A_63 = tpu.memref_slice %arg5[%add3A_61, %dma_wait3A_62] : memref<18x128xi32, #tpu.memory_space<vmem>> -> memref<1x128xi32, #tpu.memory_space<vmem>>
      %dma_wait3A_64 = tpu.memref_squeeze %dma_wait3A_63 : memref<1x128xi32, #tpu.memory_space<vmem>> -> memref<128xi32, #tpu.memory_space<vmem>>
      %dma_wait3A_65 = arith.constant 0 : i32
      %dma_wait3A_66 = arith.constant 0 : i32
      %dma_wait3A_67 = tpu.memref_slice %arg2[%dma_wait3A_65, %dma_wait3A_66] : memref<8192x128xf32, #tpu.memory_space<hbm>> -> memref<8192x128xf32, #tpu.memory_space<hbm>>
      tpu.wait_indirect_dma semaphore(%arg9 : memref<!tpu.dma_semaphore, #tpu.memory_space<semaphore_mem>>) src(%dma_wait3A_67 : memref<8192x128xf32, #tpu.memory_space<hbm>>) dst(%arg7 : memref<128x128xf32, #tpu.memory_space<vmem>>)
      %mul3A_68 = arith.constant 16 : i32
      %mul3A_69 = arith.muli %add3A, %mul3A_68 : i32
      %add3A_70 = arith.addi %mul3A_69, %mul3A_40 : i32
      %add3A_71 = arith.constant 1 : i32
      %add3A_72 = arith.addi %add3A_70, %add3A_71 : i32
      %mul3A_73 = arith.constant 128 : i32
      %mul3A_74 = arith.muli %add3A_72, %mul3A_73 : i32
      "tpu.region"() ({
        %run_scoped3A = tpu.sem_alloc : memref<!tpu.dma_semaphore, #tpu.memory_space<semaphore_mem>>
        %dma_start3A_84 = arith.constant 0 : i32
        %dma_start3A_85 = tpu.memref_slice %arg4[%mul3A_74, %dma_start3A_84] : memref<65536x128xf32, #tpu.memory_space<hbm>> -> memref<128x128xf32, #tpu.memory_space<hbm>>
        %dma_start3A_86 = arith.constant 0 : i32
        %dma_start3A_87 = tpu.memref_slice %arg4[%mul3A_74, %dma_start3A_86] : memref<65536x128xf32, #tpu.memory_space<hbm>> -> memref<128x128xf32, #tpu.memory_space<hbm>>
        tpu.enqueue_dma source(%arg7 : memref<128x128xf32, #tpu.memory_space<vmem>>) target(%dma_start3A_87 : memref<128x128xf32, #tpu.memory_space<hbm>>) target_semaphore(%run_scoped3A : memref<!tpu.dma_semaphore, #tpu.memory_space<semaphore_mem>>)
        %dma_wait3A_88 = arith.constant 0 : i32
        %dma_wait3A_89 = tpu.memref_slice %arg4[%mul3A_74, %dma_wait3A_88] : memref<65536x128xf32, #tpu.memory_space<hbm>> -> memref<128x128xf32, #tpu.memory_space<hbm>>
        %dma_wait3A_90 = arith.constant 0 : i32
        %dma_wait3A_91 = tpu.memref_slice %arg4[%mul3A_74, %dma_wait3A_90] : memref<65536x128xf32, #tpu.memory_space<hbm>> -> memref<128x128xf32, #tpu.memory_space<hbm>>
        tpu.wait_dma2 semaphore(%run_scoped3A : memref<!tpu.dma_semaphore, #tpu.memory_space<semaphore_mem>>) src(%arg7 : memref<128x128xf32, #tpu.memory_space<vmem>>) dst(%dma_wait3A_91 : memref<128x128xf32, #tpu.memory_space<hbm>>)
        tpu.yield
      }) : () -> ()
      %add3A_75 = arith.constant 3 : i32
      %add3A_76 = arith.addi %mul3A_40, %add3A_75 : i32
      %dma_start3A_77 = arith.constant 0 : i32
      %dma_start3A_78 = tpu.memref_slice %arg5[%add3A_76, %dma_start3A_77] : memref<18x128xi32, #tpu.memory_space<vmem>> -> memref<1x128xi32, #tpu.memory_space<vmem>>
      %dma_start3A_79 = tpu.memref_squeeze %dma_start3A_78 : memref<1x128xi32, #tpu.memory_space<vmem>> -> memref<128xi32, #tpu.memory_space<vmem>>
      %dma_start3A_80 = arith.constant 0 : i32
      %dma_start3A_81 = arith.constant 0 : i32
      %dma_start3A_82 = tpu.memref_slice %arg2[%dma_start3A_80, %dma_start3A_81] : memref<8192x128xf32, #tpu.memory_space<hbm>> -> memref<8192x128xf32, #tpu.memory_space<hbm>>
      tpu.enqueue_indirect_dma source(%dma_start3A_82 : memref<8192x128xf32, #tpu.memory_space<hbm>>) target(%arg7 : memref<128x128xf32, #tpu.memory_space<vmem>>) offsets(%dma_start3A_79 : memref<128xi32, #tpu.memory_space<vmem>>) semaphore(%arg9 : memref<!tpu.dma_semaphore, #tpu.memory_space<semaphore_mem>>)
      %scan3A_83 = arith.constant 0 : i32
      scf.yield %scan3A_83 : i32
    }
    %scan3A_23 = arith.constant 8 : i32
    %dma_wait3A = arith.constant 16 : i32
    %dma_wait3A_24 = arith.constant 0 : i32
    %dma_wait3A_25 = tpu.memref_slice %arg5[%dma_wait3A, %dma_wait3A_24] : memref<18x128xi32, #tpu.memory_space<vmem>> -> memref<1x128xi32, #tpu.memory_space<vmem>>
    %dma_wait3A_26 = tpu.memref_squeeze %dma_wait3A_25 : memref<1x128xi32, #tpu.memory_space<vmem>> -> memref<128xi32, #tpu.memory_space<vmem>>
    %dma_wait3A_27 = arith.constant 0 : i32
    %dma_wait3A_28 = arith.constant 0 : i32
    %dma_wait3A_29 = tpu.memref_slice %arg2[%dma_wait3A_27, %dma_wait3A_28] : memref<8192x128xf32, #tpu.memory_space<hbm>> -> memref<8192x128xf32, #tpu.memory_space<hbm>>
    tpu.wait_indirect_dma semaphore(%arg8 : memref<!tpu.dma_semaphore, #tpu.memory_space<semaphore_mem>>) src(%dma_wait3A_29 : memref<8192x128xf32, #tpu.memory_space<hbm>>) dst(%arg6 : memref<128x128xf32, #tpu.memory_space<vmem>>)
    %dma_wait3A_30 = arith.constant 17 : i32
    %dma_wait3A_31 = arith.constant 0 : i32
    %dma_wait3A_32 = tpu.memref_slice %arg5[%dma_wait3A_30, %dma_wait3A_31] : memref<18x128xi32, #tpu.memory_space<vmem>> -> memref<1x128xi32, #tpu.memory_space<vmem>>
    %dma_wait3A_33 = tpu.memref_squeeze %dma_wait3A_32 : memref<1x128xi32, #tpu.memory_space<vmem>> -> memref<128xi32, #tpu.memory_space<vmem>>
    %dma_wait3A_34 = arith.constant 0 : i32
    %dma_wait3A_35 = arith.constant 0 : i32
    %dma_wait3A_36 = tpu.memref_slice %arg2[%dma_wait3A_34, %dma_wait3A_35] : memref<8192x128xf32, #tpu.memory_space<hbm>> -> memref<8192x128xf32, #tpu.memory_space<hbm>>
    tpu.wait_indirect_dma semaphore(%arg9 : memref<!tpu.dma_semaphore, #tpu.memory_space<semaphore_mem>>) src(%dma_wait3A_36 : memref<8192x128xf32, #tpu.memory_space<hbm>>) dst(%arg7 : memref<128x128xf32, #tpu.memory_space<vmem>>)
    return
  }
}

module attributes {stable_mosaic.version = 14 : i64} {
  func.func @_knn_proj_kernel(%arg0: i32, %arg1: i32, %arg2: memref<1x3x2048xf32, #tpu.memory_space<vmem>>, %arg3: memref<1x3x256xf32, #tpu.memory_space<vmem>>, %arg4: memref<1x256x3xf32, #tpu.memory_space<vmem>>, %arg5: memref<1x64x256xf32, #tpu.memory_space<vmem>>, %arg6: memref<3x128xf32, #tpu.memory_space<vmem>>, %arg7: memref<64x128xf32, #tpu.memory_space<vmem>>, %arg8: memref<1x256x8xi32, #tpu.memory_space<vmem>>, %arg9: memref<1x256x128xf32, #tpu.memory_space<vmem>>, %arg10: memref<1x256x128xf32, #tpu.memory_space<vmem>>) attributes {dimension_semantics = [#tpu.dimension_semantics<arbitrary>, #tpu.dimension_semantics<arbitrary>], iteration_bounds = array<i64: 4, 8>, scalar_prefetch = 0 : i64, scratch_operands = 0 : i64, tpu.core_type = #tpu.core_type<tc>, window_params = [{transform_indices = @transform_0, window_bounds = array<i64: 1, 3, 2048>}, {transform_indices = @transform_1, window_bounds = array<i64: 1, 3, 256>}, {transform_indices = @transform_2, window_bounds = array<i64: 1, 256, 3>}, {transform_indices = @transform_3, window_bounds = array<i64: 1, 64, 256>}, {pipeline_mode = #tpu.pipeline_mode<synchronous>, transform_indices = @transform_4, window_bounds = array<i64: 3, 128>}, {pipeline_mode = #tpu.pipeline_mode<synchronous>, transform_indices = @transform_5, window_bounds = array<i64: 64, 128>}, {transform_indices = @transform_6, window_bounds = array<i64: 1, 256, 8>}, {transform_indices = @transform_7, window_bounds = array<i64: 1, 256, 128>}, {transform_indices = @transform_8, window_bounds = array<i64: 1, 256, 128>}]} {
    %get3A = arith.constant 0 : index
    %get3A_0 = arith.constant 0 : index
    %get3A_1 = arith.constant 0 : index
    %get3A_2 = vector.load %arg2[%get3A, %get3A_0, %get3A_1] : memref<1x3x2048xf32, #tpu.memory_space<vmem>>, vector<1x3x2048xf32>
    %get3A_3 = vector.shape_cast %get3A_2 : vector<1x3x2048xf32> to vector<3x2048xf32>
    %get3A_4 = arith.constant 0 : index
    %get3A_5 = arith.constant 0 : index
    %get3A_6 = arith.constant 0 : index
    %get3A_7 = vector.load %arg3[%get3A_4, %get3A_5, %get3A_6] : memref<1x3x256xf32, #tpu.memory_space<vmem>>, vector<1x3x256xf32>
    %get3A_8 = vector.shape_cast %get3A_7 : vector<1x3x256xf32> to vector<3x256xf32>
    %get3A_9 = arith.constant 0 : index
    %get3A_10 = arith.constant 0 : index
    %get3A_11 = arith.constant 0 : index
    %get3A_12 = vector.load %arg4[%get3A_9, %get3A_10, %get3A_11] : memref<1x256x3xf32, #tpu.memory_space<vmem>>, vector<1x256x3xf32>
    %get3A_13 = vector.shape_cast %get3A_12 : vector<1x256x3xf32> to vector<256x3xf32>
    %get3A_14 = arith.constant 0 : index
    %get3A_15 = arith.constant 0 : index
    %get3A_16 = arith.constant 0 : index
    %get3A_17 = vector.load %arg5[%get3A_14, %get3A_15, %get3A_16] : memref<1x64x256xf32, #tpu.memory_space<vmem>>, vector<1x64x256xf32>
    %get3A_18 = vector.shape_cast %get3A_17 : vector<1x64x256xf32> to vector<64x256xf32>
    %mul3A = arith.mulf %get3A_3, %get3A_3 : vector<3x2048xf32>
    %reduce_sum3A = arith.constant dense<0.000000e+00> : vector<2048xf32>
    %reduce_sum3A_19 = vector.multi_reduction <add>, %mul3A, %reduce_sum3A [0] : vector<3x2048xf32> to vector<2048xf32>
    %broadcast_in_dim3A = vector.shape_cast %reduce_sum3A_19 : vector<2048xf32> to vector<1x2048xf32>
    %mul3A_20 = arith.mulf %get3A_13, %get3A_13 : vector<256x3xf32>
    %reduce_sum3A_21 = arith.constant dense<0.000000e+00> : vector<256xf32>
    %reduce_sum3A_22 = vector.multi_reduction <add>, %mul3A_20, %reduce_sum3A_21 [1] : vector<256x3xf32> to vector<256xf32>
    %broadcast_in_dim3A_23 = vector.shape_cast %reduce_sum3A_22 : vector<256xf32> to vector<256x1xf32>
    %convert_element_type3A = arith.truncf %get3A_8 : vector<3x256xf32> to vector<3x256xbf16>
    %convert_element_type3A_24 = arith.truncf %get3A_3 : vector<3x2048xf32> to vector<3x2048xbf16>
    %dot_general3A = arith.constant dense<0.000000e+00> : vector<256x2048xf32>
    %dot_general3A_25 = tpu.matmul %convert_element_type3A, %convert_element_type3A_24, %dot_general3A {dimension_numbers = #tpu.dot_dimension_numbers<[0], [0], [1], [1], [0, 1, 1, 1], [], []>, transpose_lhs_hint = false} : vector<3x256xbf16>, vector<3x2048xbf16>, vector<256x2048xf32> -> vector<256x2048xf32>
    %mul3A_26 = arith.constant 2.000000e+00 : f32
    %mul3A_27 = vector.broadcast %mul3A_26 : f32 to vector<256x2048xf32>
    %mul3A_28 = arith.mulf %mul3A_27, %dot_general3A_25 : vector<256x2048xf32>
    %sub3A = vector.broadcast %broadcast_in_dim3A_23 : vector<256x1xf32> to vector<256x2048xf32>
    %sub3A_29 = arith.subf %sub3A, %mul3A_28 : vector<256x2048xf32>
    %add3A = vector.broadcast %broadcast_in_dim3A : vector<1x2048xf32> to vector<256x2048xf32>
    %add3A_30 = arith.addf %sub3A_29, %add3A : vector<256x2048xf32>
    %iota3A = tpu.iota {dimensions = array<i32: 1>} : vector<256x2048xi32>
    %mul3A_31 = arith.constant 2048 : i32
    %mul3A_32 = arith.muli %arg0, %mul3A_31 : i32
    %argmin3A = tpu.reduce_index %add3A_30 {axis = 1 : i32, kind = #tpu.reduction_kind<arg_min>} : vector<256x2048xf32> -> vector<256xi32>
    %broadcast_in_dim3A_33 = vector.shape_cast %argmin3A : vector<256xi32> to vector<256x1xi32>
    %add3A_34 = vector.broadcast %mul3A_32 : i32 to vector<256x1xi32>
    %add3A_35 = arith.addi %broadcast_in_dim3A_33, %add3A_34 : vector<256x1xi32>
    %eq3A = vector.broadcast %broadcast_in_dim3A_33 : vector<256x1xi32> to vector<256x2048xi32>
    %eq3A_36 = arith.cmpi eq, %iota3A, %eq3A : vector<256x2048xi32>
    %jit3A = arith.constant 0x7F800000 : f32
    %broadcast_in_dim3A_37 = vector.broadcast %jit3A : f32 to vector<256x2048xf32>
    %select_n3A = arith.select %eq3A_36, %broadcast_in_dim3A_37, %add3A_30 : vector<256x2048xi1>, vector<256x2048xf32>
    %argmin3A_38 = tpu.reduce_index %select_n3A {axis = 1 : i32, kind = #tpu.reduction_kind<arg_min>} : vector<256x2048xf32> -> vector<256xi32>
    %broadcast_in_dim3A_39 = vector.shape_cast %argmin3A_38 : vector<256xi32> to vector<256x1xi32>
    %add3A_40 = vector.broadcast %mul3A_32 : i32 to vector<256x1xi32>
    %add3A_41 = arith.addi %broadcast_in_dim3A_39, %add3A_40 : vector<256x1xi32>
    %eq3A_42 = vector.broadcast %broadcast_in_dim3A_39 : vector<256x1xi32> to vector<256x2048xi32>
    %eq3A_43 = arith.cmpi eq, %iota3A, %eq3A_42 : vector<256x2048xi32>
    %jit3A_44 = arith.constant 0x7F800000 : f32
    %broadcast_in_dim3A_45 = vector.broadcast %jit3A_44 : f32 to vector<256x2048xf32>
    %select_n3A_46 = arith.select %eq3A_43, %broadcast_in_dim3A_45, %select_n3A : vector<256x2048xi1>, vector<256x2048xf32>
    %argmin3A_47 = tpu.reduce_index %select_n3A_46 {axis = 1 : i32, kind = #tpu.reduction_kind<arg_min>} : vector<256x2048xf32> -> vector<256xi32>
    %broadcast_in_dim3A_48 = vector.shape_cast %argmin3A_47 : vector<256xi32> to vector<256x1xi32>
    %add3A_49 = vector.broadcast %mul3A_32 : i32 to vector<256x1xi32>
    %add3A_50 = arith.addi %broadcast_in_dim3A_48, %add3A_49 : vector<256x1xi32>
    %eq3A_51 = vector.broadcast %broadcast_in_dim3A_48 : vector<256x1xi32> to vector<256x2048xi32>
    %eq3A_52 = arith.cmpi eq, %iota3A, %eq3A_51 : vector<256x2048xi32>
    %jit3A_53 = arith.constant 0x7F800000 : f32
    %broadcast_in_dim3A_54 = vector.broadcast %jit3A_53 : f32 to vector<256x2048xf32>
    %select_n3A_55 = arith.select %eq3A_52, %broadcast_in_dim3A_54, %select_n3A_46 : vector<256x2048xi1>, vector<256x2048xf32>
    %argmin3A_56 = tpu.reduce_index %select_n3A_55 {axis = 1 : i32, kind = #tpu.reduction_kind<arg_min>} : vector<256x2048xf32> -> vector<256xi32>
    %broadcast_in_dim3A_57 = vector.shape_cast %argmin3A_56 : vector<256xi32> to vector<256x1xi32>
    %add3A_58 = vector.broadcast %mul3A_32 : i32 to vector<256x1xi32>
    %add3A_59 = arith.addi %broadcast_in_dim3A_57, %add3A_58 : vector<256x1xi32>
    %eq3A_60 = vector.broadcast %broadcast_in_dim3A_57 : vector<256x1xi32> to vector<256x2048xi32>
    %eq3A_61 = arith.cmpi eq, %iota3A, %eq3A_60 : vector<256x2048xi32>
    %jit3A_62 = arith.constant 0x7F800000 : f32
    %broadcast_in_dim3A_63 = vector.broadcast %jit3A_62 : f32 to vector<256x2048xf32>
    %select_n3A_64 = arith.select %eq3A_61, %broadcast_in_dim3A_63, %select_n3A_55 : vector<256x2048xi1>, vector<256x2048xf32>
    %argmin3A_65 = tpu.reduce_index %select_n3A_64 {axis = 1 : i32, kind = #tpu.reduction_kind<arg_min>} : vector<256x2048xf32> -> vector<256xi32>
    %broadcast_in_dim3A_66 = vector.shape_cast %argmin3A_65 : vector<256xi32> to vector<256x1xi32>
    %add3A_67 = vector.broadcast %mul3A_32 : i32 to vector<256x1xi32>
    %add3A_68 = arith.addi %broadcast_in_dim3A_66, %add3A_67 : vector<256x1xi32>
    %eq3A_69 = vector.broadcast %broadcast_in_dim3A_66 : vector<256x1xi32> to vector<256x2048xi32>
    %eq3A_70 = arith.cmpi eq, %iota3A, %eq3A_69 : vector<256x2048xi32>
    %jit3A_71 = arith.constant 0x7F800000 : f32
    %broadcast_in_dim3A_72 = vector.broadcast %jit3A_71 : f32 to vector<256x2048xf32>
    %select_n3A_73 = arith.select %eq3A_70, %broadcast_in_dim3A_72, %select_n3A_64 : vector<256x2048xi1>, vector<256x2048xf32>
    %argmin3A_74 = tpu.reduce_index %select_n3A_73 {axis = 1 : i32, kind = #tpu.reduction_kind<arg_min>} : vector<256x2048xf32> -> vector<256xi32>
    %broadcast_in_dim3A_75 = vector.shape_cast %argmin3A_74 : vector<256xi32> to vector<256x1xi32>
    %add3A_76 = vector.broadcast %mul3A_32 : i32 to vector<256x1xi32>
    %add3A_77 = arith.addi %broadcast_in_dim3A_75, %add3A_76 : vector<256x1xi32>
    %eq3A_78 = vector.broadcast %broadcast_in_dim3A_75 : vector<256x1xi32> to vector<256x2048xi32>
    %eq3A_79 = arith.cmpi eq, %iota3A, %eq3A_78 : vector<256x2048xi32>
    %jit3A_80 = arith.constant 0x7F800000 : f32
    %broadcast_in_dim3A_81 = vector.broadcast %jit3A_80 : f32 to vector<256x2048xf32>
    %select_n3A_82 = arith.select %eq3A_79, %broadcast_in_dim3A_81, %select_n3A_73 : vector<256x2048xi1>, vector<256x2048xf32>
    %argmin3A_83 = tpu.reduce_index %select_n3A_82 {axis = 1 : i32, kind = #tpu.reduction_kind<arg_min>} : vector<256x2048xf32> -> vector<256xi32>
    %broadcast_in_dim3A_84 = vector.shape_cast %argmin3A_83 : vector<256xi32> to vector<256x1xi32>
    %add3A_85 = vector.broadcast %mul3A_32 : i32 to vector<256x1xi32>
    %add3A_86 = arith.addi %broadcast_in_dim3A_84, %add3A_85 : vector<256x1xi32>
    %eq3A_87 = vector.broadcast %broadcast_in_dim3A_84 : vector<256x1xi32> to vector<256x2048xi32>
    %eq3A_88 = arith.cmpi eq, %iota3A, %eq3A_87 : vector<256x2048xi32>
    %jit3A_89 = arith.constant 0x7F800000 : f32
    %broadcast_in_dim3A_90 = vector.broadcast %jit3A_89 : f32 to vector<256x2048xf32>
    %select_n3A_91 = arith.select %eq3A_88, %broadcast_in_dim3A_90, %select_n3A_82 : vector<256x2048xi1>, vector<256x2048xf32>
    %argmin3A_92 = tpu.reduce_index %select_n3A_91 {axis = 1 : i32, kind = #tpu.reduction_kind<arg_min>} : vector<256x2048xf32> -> vector<256xi32>
    %broadcast_in_dim3A_93 = vector.shape_cast %argmin3A_92 : vector<256xi32> to vector<256x1xi32>
    %add3A_94 = vector.broadcast %mul3A_32 : i32 to vector<256x1xi32>
    %add3A_95 = arith.addi %broadcast_in_dim3A_93, %add3A_94 : vector<256x1xi32>
    %concatenate3A = tpu.concatenate %add3A_35, %add3A_41, %add3A_50, %add3A_59, %add3A_68, %add3A_77, %add3A_86, %add3A_95 in 1 : vector<256x1xi32>, vector<256x1xi32>, vector<256x1xi32>, vector<256x1xi32>, vector<256x1xi32>, vector<256x1xi32>, vector<256x1xi32>, vector<256x1xi32> -> vector<256x8xi32>
    %swap3A = arith.constant 0 : index
    %swap3A_96 = arith.constant 0 : index
    %swap3A_97 = arith.constant 0 : index
    %swap3A_98 = vector.load %arg8[%swap3A, %swap3A_96, %swap3A_97] : memref<1x256x8xi32, #tpu.memory_space<vmem>>, vector<1x256x8xi32>
    %swap3A_99 = vector.shape_cast %swap3A_98 : vector<1x256x8xi32> to vector<256x8xi32>
    %swap3A_100 = vector.shape_cast %concatenate3A : vector<256x8xi32> to vector<1x256x8xi32>
    tpu.vector_store %arg8[%swap3A, %swap3A_96, %swap3A_97], %swap3A_100 {strides = array<i32>} : memref<1x256x8xi32, #tpu.memory_space<vmem>>, vector<1x256x8xi32>,
    %get3A_101 = arith.constant 0 : index
    %get3A_102 = arith.constant 0 : index
    %get3A_103 = vector.load %arg6[%get3A_101, %get3A_102] : memref<3x128xf32, #tpu.memory_space<vmem>>, vector<3x128xf32>
    %dot_general3A_104 = arith.constant dense<0.000000e+00> : vector<256x128xf32>
    %dot_general3A_105 = tpu.matmul %get3A_8, %get3A_103, %dot_general3A_104 {dimension_numbers = #tpu.dot_dimension_numbers<[0], [0], [1], [1], [0, 1, 1, 1], [], []>, precision = #tpu.contract_precision<fp32>, transpose_lhs_hint = false} : vector<3x256xf32>, vector<3x128xf32>, vector<256x128xf32> -> vector<256x128xf32>
    %convert_element_type3A_106 = arith.truncf %get3A_18 : vector<64x256xf32> to vector<64x256xbf16>
    %get3A_107 = arith.constant 0 : index
    %get3A_108 = arith.constant 0 : index
    %get3A_109 = vector.load %arg7[%get3A_107, %get3A_108] : memref<64x128xf32, #tpu.memory_space<vmem>>, vector<64x128xf32>
    %convert_element_type3A_110 = arith.truncf %get3A_109 : vector<64x128xf32> to vector<64x128xbf16>
    %dot_general3A_111 = arith.constant dense<0.000000e+00> : vector<256x128xf32>
    %dot_general3A_112 = tpu.matmul %convert_element_type3A_106, %convert_element_type3A_110, %dot_general3A_111 {dimension_numbers = #tpu.dot_dimension_numbers<[0], [0], [1], [1], [0, 1, 1, 1], [], []>, transpose_lhs_hint = false} : vector<64x256xbf16>, vector<64x128xbf16>, vector<256x128xf32> -> vector<256x128xf32>
    %add3A_113 = arith.addf %dot_general3A_105, %dot_general3A_112 : vector<256x128xf32>
    %swap3A_114 = arith.constant 0 : index
    %swap3A_115 = arith.constant 0 : index
    %swap3A_116 = arith.constant 0 : index
    %swap3A_117 = vector.load %arg10[%swap3A_114, %swap3A_115, %swap3A_116] : memref<1x256x128xf32, #tpu.memory_space<vmem>>, vector<1x256x128xf32>
    %swap3A_118 = vector.shape_cast %swap3A_117 : vector<1x256x128xf32> to vector<256x128xf32>
    %swap3A_119 = vector.shape_cast %dot_general3A_105 : vector<256x128xf32> to vector<1x256x128xf32>
    tpu.vector_store %arg10[%swap3A_114, %swap3A_115, %swap3A_116], %swap3A_119 {strides = array<i32>} : memref<1x256x128xf32, #tpu.memory_space<vmem>>, vector<1x256x128xf32>,
    %swap3A_120 = arith.constant 0 : index
    %swap3A_121 = arith.constant 0 : index
    %swap3A_122 = arith.constant 0 : index
    %swap3A_123 = vector.load %arg9[%swap3A_120, %swap3A_121, %swap3A_122] : memref<1x256x128xf32, #tpu.memory_space<vmem>>, vector<1x256x128xf32>
    %swap3A_124 = vector.shape_cast %swap3A_123 : vector<1x256x128xf32> to vector<256x128xf32>
    %swap3A_125 = vector.shape_cast %add3A_113 : vector<256x128xf32> to vector<1x256x128xf32>
    tpu.vector_store %arg9[%swap3A_120, %swap3A_121, %swap3A_122], %swap3A_125 {strides = array<i32>} : memref<1x256x128xf32, #tpu.memory_space<vmem>>, vector<1x256x128xf32>,
    return
  }
  func.func @transform_0(%arg0: i32, %arg1: i32) -> (i32, i32, i32) {
    %c0_i32 = arith.constant 0 : i32
    %c0_i32_0 = arith.constant 0 : i32
    %c0_i32_1 = arith.constant 0 : i32
    return %arg0, %c0_i32, %c0_i32_0 : i32, i32, i32
  }
  func.func @transform_1(%arg0: i32, %arg1: i32) -> (i32, i32, i32) {
    %c0_i32 = arith.constant 0 : i32
    %c0_i32_0 = arith.constant 0 : i32
    return %arg0, %c0_i32, %arg1 : i32, i32, i32
  }
  func.func @transform_2(%arg0: i32, %arg1: i32) -> (i32, i32, i32) {
    %c0_i32 = arith.constant 0 : i32
    %c0_i32_0 = arith.constant 0 : i32
    return %arg0, %arg1, %c0_i32 : i32, i32, i32
  }
  func.func @transform_3(%arg0: i32, %arg1: i32) -> (i32, i32, i32) {
    %c0_i32 = arith.constant 0 : i32
    %c0_i32_0 = arith.constant 0 : i32
    return %arg0, %c0_i32, %arg1 : i32, i32, i32
  }
  func.func @transform_4(%arg0: i32, %arg1: i32) -> (i32, i32) {
    %c0_i32 = arith.constant 0 : i32
    %c0_i32_0 = arith.constant 0 : i32
    %c0_i32_1 = arith.constant 0 : i32
    return %c0_i32, %c0_i32_0 : i32, i32
  }
  func.func @transform_5(%arg0: i32, %arg1: i32) -> (i32, i32) {
    %c0_i32 = arith.constant 0 : i32
    %c0_i32_0 = arith.constant 0 : i32
    %c0_i32_1 = arith.constant 0 : i32
    return %c0_i32, %c0_i32_0 : i32, i32
  }
  func.func @transform_6(%arg0: i32, %arg1: i32) -> (i32, i32, i32) {
    %c0_i32 = arith.constant 0 : i32
    %c0_i32_0 = arith.constant 0 : i32
    return %arg0, %arg1, %c0_i32 : i32, i32, i32
  }
  func.func @transform_7(%arg0: i32, %arg1: i32) -> (i32, i32, i32) {
    %c0_i32 = arith.constant 0 : i32
    %c0_i32_0 = arith.constant 0 : i32
    return %arg0, %arg1, %c0_i32 : i32, i32, i32
  }
  func.func @transform_8(%arg0: i32, %arg1: i32) -> (i32, i32, i32) {
    %c0_i32 = arith.constant 0 : i32
    %c0_i32_0 = arith.constant 0 : i32
    return %arg0, %arg1, %c0_i32 : i32, i32, i32
  }
}

module attributes {stable_mosaic.version = 14 : i64} {
  func.func @_sa1_kernel(%arg0: i32, %arg1: memref<1x2048x8x128xf32, #tpu.memory_space<vmem>>, %arg2: memref<1x2048x128xf32, #tpu.memory_space<vmem>>, %arg3: memref<1x3x2048xf32, #tpu.memory_space<vmem>>, %arg4: memref<128x128xf32, #tpu.memory_space<vmem>>, %arg5: memref<128x128xf32, #tpu.memory_space<vmem>>, %arg6: memref<1x128xf32, #tpu.memory_space<vmem>>, %arg7: memref<1x128xf32, #tpu.memory_space<vmem>>, %arg8: memref<1x128xf32, #tpu.memory_space<vmem>>, %arg9: memref<3x128xf32, #tpu.memory_space<vmem>>, %arg10: memref<128x128xf32, #tpu.memory_space<vmem>>, %arg11: memref<1x2048x128xf32, #tpu.memory_space<vmem>>, %arg12: memref<1x2048x128xf32, #tpu.memory_space<vmem>>) attributes {dimension_semantics = [#tpu.dimension_semantics<arbitrary>], iteration_bounds = array<i64: 4>, scalar_prefetch = 0 : i64, scratch_operands = 0 : i64, tpu.core_type = #tpu.core_type<tc>, window_params = [{transform_indices = @transform_0, window_bounds = array<i64: 1, 2048, 8, 128>}, {transform_indices = @transform_1, window_bounds = array<i64: 1, 2048, 128>}, {transform_indices = @transform_2, window_bounds = array<i64: 1, 3, 2048>}, {pipeline_mode = #tpu.pipeline_mode<synchronous>, transform_indices = @transform_3, window_bounds = array<i64: 128, 128>}, {pipeline_mode = #tpu.pipeline_mode<synchronous>, transform_indices = @transform_4, window_bounds = array<i64: 128, 128>}, {pipeline_mode = #tpu.pipeline_mode<synchronous>, transform_indices = @transform_5, window_bounds = array<i64: 1, 128>}, {pipeline_mode = #tpu.pipeline_mode<synchronous>, transform_indices = @transform_6, window_bounds = array<i64: 1, 128>}, {pipeline_mode = #tpu.pipeline_mode<synchronous>, transform_indices = @transform_7, window_bounds = array<i64: 1, 128>}, {pipeline_mode = #tpu.pipeline_mode<synchronous>, transform_indices = @transform_8, window_bounds = array<i64: 3, 128>}, {pipeline_mode = #tpu.pipeline_mode<synchronous>, transform_indices = @transform_9, window_bounds = array<i64: 128, 128>}, {transform_indices = @transform_10, window_bounds = array<i64: 1, 2048, 128>}, {transform_indices = @transform_11, window_bounds = array<i64: 1, 2048, 128>}]} {
    %get3A = arith.constant 0 : index
    %get3A_0 = arith.constant 0 : index
    %get3A_1 = arith.constant 0 : index
    %get3A_2 = arith.constant 0 : index
    %get3A_3 = vector.load %arg1[%get3A, %get3A_0, %get3A_1, %get3A_2] : memref<1x2048x8x128xf32, #tpu.memory_space<vmem>>, vector<1x2048x8x128xf32>
    %get3A_4 = vector.shape_cast %get3A_3 : vector<1x2048x8x128xf32> to vector<2048x8x128xf32>
    %get3A_5 = arith.constant 0 : index
    %get3A_6 = arith.constant 0 : index
    %get3A_7 = arith.constant 0 : index
    %get3A_8 = vector.load %arg2[%get3A_5, %get3A_6, %get3A_7] : memref<1x2048x128xf32, #tpu.memory_space<vmem>>, vector<1x2048x128xf32>
    %get3A_9 = vector.shape_cast %get3A_8 : vector<1x2048x128xf32> to vector<2048x128xf32>
    %broadcast_in_dim3A = vector.shape_cast %get3A_9 : vector<2048x128xf32> to vector<2048x1x128xf32>
    %sub3A = vector.broadcast %broadcast_in_dim3A : vector<2048x1x128xf32> to vector<2048x8x128xf32>
    %sub3A_10 = arith.subf %get3A_4, %sub3A : vector<2048x8x128xf32>
    %get3A_11 = arith.constant 0 : index
    %get3A_12 = arith.constant 0 : index
    %get3A_13 = vector.load %arg6[%get3A_11, %get3A_12] : memref<1x128xf32, #tpu.memory_space<vmem>>, vector<1x128xf32>
    %reshape3A = vector.shape_cast %get3A_13 : vector<1x128xf32> to vector<1x1x128xf32>
    %add3A = vector.broadcast %reshape3A : vector<1x1x128xf32> to vector<2048x8x128xf32>
    %add3A_14 = arith.addf %sub3A_10, %add3A : vector<2048x8x128xf32>
    %reduce_sum3A = arith.constant dense<0.000000e+00> : vector<128xf32>
    %reduce_sum3A_15 = vector.multi_reduction <add>, %add3A_14, %reduce_sum3A [0, 1] : vector<2048x8x128xf32> to vector<128xf32>
    %broadcast_in_dim3A_16 = vector.shape_cast %reduce_sum3A_15 : vector<128xf32> to vector<1x1x128xf32>
    %div3A = arith.constant 1.638400e+04 : f32
    %div3A_17 = vector.broadcast %div3A : f32 to vector<1x1x128xf32>
    %div3A_18 = arith.divf %broadcast_in_dim3A_16, %div3A_17 : vector<1x1x128xf32>
    %sub3A_19 = vector.broadcast %div3A_18 : vector<1x1x128xf32> to vector<2048x8x128xf32>
    %sub3A_20 = arith.subf %add3A_14, %sub3A_19 : vector<2048x8x128xf32>
    %integer_pow3A = arith.mulf %sub3A_20, %sub3A_20 : vector<2048x8x128xf32>
    %reduce_sum3A_21 = arith.constant dense<0.000000e+00> : vector<128xf32>
    %reduce_sum3A_22 = vector.multi_reduction <add>, %integer_pow3A, %reduce_sum3A_21 [0, 1] : vector<2048x8x128xf32> to vector<128xf32>
    %broadcast_in_dim3A_23 = vector.shape_cast %reduce_sum3A_22 : vector<128xf32> to vector<1x1x128xf32>
    %div3A_24 = arith.constant 1.638400e+04 : f32
    %div3A_25 = vector.broadcast %div3A_24 : f32 to vector<1x1x128xf32>
    %div3A_26 = arith.divf %broadcast_in_dim3A_23, %div3A_25 : vector<1x1x128xf32>
    %add3A_27 = arith.constant 9.99999974E-6 : f32
    %add3A_28 = vector.broadcast %add3A_27 : f32 to vector<1x1x128xf32>
    %add3A_29 = arith.addf %div3A_26, %add3A_28 : vector<1x1x128xf32>
    %rsqrt3A = math.rsqrt %add3A_29 : vector<1x1x128xf32>
    %sub3A_30 = vector.broadcast %div3A_18 : vector<1x1x128xf32> to vector<2048x8x128xf32>
    %sub3A_31 = arith.subf %add3A_14, %sub3A_30 : vector<2048x8x128xf32>
    %mul3A = vector.broadcast %rsqrt3A : vector<1x1x128xf32> to vector<2048x8x128xf32>
    %mul3A_32 = arith.mulf %sub3A_31, %mul3A : vector<2048x8x128xf32>
    %max3A = arith.constant 0.000000e+00 : f32
    %max3A_33 = vector.broadcast %max3A : f32 to vector<2048x8x128xf32>
    %max3A_34 = arith.maximumf %mul3A_32, %max3A_33 : vector<2048x8x128xf32>
    %reshape3A_35 = vector.shape_cast %max3A_34 : vector<2048x8x128xf32> to vector<16384x128xf32>
    %convert_element_type3A = arith.truncf %reshape3A_35 : vector<16384x128xf32> to vector<16384x128xbf16>
    %get3A_36 = arith.constant 0 : index
    %get3A_37 = arith.constant 0 : index
    %get3A_38 = vector.load %arg4[%get3A_36, %get3A_37] : memref<128x128xf32, #tpu.memory_space<vmem>>, vector<128x128xf32>
    %convert_element_type3A_39 = arith.truncf %get3A_38 : vector<128x128xf32> to vector<128x128xbf16>
    %dot_general3A = arith.constant dense<0.000000e+00> : vector<16384x128xf32>
    %dot_general3A_40 = tpu.matmul %convert_element_type3A, %convert_element_type3A_39, %dot_general3A {dimension_numbers = #tpu.dot_dimension_numbers<[1], [0], [0], [1], [0, 0, 1, 1], [], []>, transpose_lhs_hint = false} : vector<16384x128xbf16>, vector<128x128xbf16>, vector<16384x128xf32> -> vector<16384x128xf32>
    %get3A_41 = arith.constant 0 : index
    %get3A_42 = arith.constant 0 : index
    %get3A_43 = vector.load %arg7[%get3A_41, %get3A_42] : memref<1x128xf32, #tpu.memory_space<vmem>>, vector<1x128xf32>
    %add3A_44 = vector.broadcast %get3A_43 : vector<1x128xf32> to vector<16384x128xf32>
    %add3A_45 = arith.addf %dot_general3A_40, %add3A_44 : vector<16384x128xf32>
    %reduce_sum3A_46 = arith.constant dense<0.000000e+00> : vector<128xf32>
    %reduce_sum3A_47 = vector.multi_reduction <add>, %add3A_45, %reduce_sum3A_46 [0] : vector<16384x128xf32> to vector<128xf32>
    %broadcast_in_dim3A_48 = vector.shape_cast %reduce_sum3A_47 : vector<128xf32> to vector<1x128xf32>
    %div3A_49 = arith.constant 1.638400e+04 : f32
    %div3A_50 = vector.broadcast %div3A_49 : f32 to vector<1x128xf32>
    %div3A_51 = arith.divf %broadcast_in_dim3A_48, %div3A_50 : vector<1x128xf32>
    %sub3A_52 = vector.broadcast %div3A_51 : vector<1x128xf32> to vector<16384x128xf32>
    %sub3A_53 = arith.subf %add3A_45, %sub3A_52 : vector<16384x128xf32>
    %integer_pow3A_54 = arith.mulf %sub3A_53, %sub3A_53 : vector<16384x128xf32>
    %reduce_sum3A_55 = arith.constant dense<0.000000e+00> : vector<128xf32>
    %reduce_sum3A_56 = vector.multi_reduction <add>, %integer_pow3A_54, %reduce_sum3A_55 [0] : vector<16384x128xf32> to vector<128xf32>
    %broadcast_in_dim3A_57 = vector.shape_cast %reduce_sum3A_56 : vector<128xf32> to vector<1x128xf32>
    %div3A_58 = arith.constant 1.638400e+04 : f32
    %div3A_59 = vector.broadcast %div3A_58 : f32 to vector<1x128xf32>
    %div3A_60 = arith.divf %broadcast_in_dim3A_57, %div3A_59 : vector<1x128xf32>
    %add3A_61 = arith.constant 9.99999974E-6 : f32
    %add3A_62 = vector.broadcast %add3A_61 : f32 to vector<1x128xf32>
    %add3A_63 = arith.addf %div3A_60, %add3A_62 : vector<1x128xf32>
    %rsqrt3A_64 = math.rsqrt %add3A_63 : vector<1x128xf32>
    %sub3A_65 = vector.broadcast %div3A_51 : vector<1x128xf32> to vector<16384x128xf32>
    %sub3A_66 = arith.subf %add3A_45, %sub3A_65 : vector<16384x128xf32>
    %mul3A_67 = vector.broadcast %rsqrt3A_64 : vector<1x128xf32> to vector<16384x128xf32>
    %mul3A_68 = arith.mulf %sub3A_66, %mul3A_67 : vector<16384x128xf32>
    %max3A_69 = arith.constant 0.000000e+00 : f32
    %max3A_70 = vector.broadcast %max3A_69 : f32 to vector<16384x128xf32>
    %max3A_71 = arith.maximumf %mul3A_68, %max3A_70 : vector<16384x128xf32>
    %convert_element_type3A_72 = arith.truncf %max3A_71 : vector<16384x128xf32> to vector<16384x128xbf16>
    %get3A_73 = arith.constant 0 : index
    %get3A_74 = arith.constant 0 : index
    %get3A_75 = vector.load %arg5[%get3A_73, %get3A_74] : memref<128x128xf32, #tpu.memory_space<vmem>>, vector<128x128xf32>
    %convert_element_type3A_76 = arith.truncf %get3A_75 : vector<128x128xf32> to vector<128x128xbf16>
    %dot_general3A_77 = arith.constant dense<0.000000e+00> : vector<16384x128xf32>
    %dot_general3A_78 = tpu.matmul %convert_element_type3A_72, %convert_element_type3A_76, %dot_general3A_77 {dimension_numbers = #tpu.dot_dimension_numbers<[1], [0], [0], [1], [0, 0, 1, 1], [], []>, transpose_lhs_hint = false} : vector<16384x128xbf16>, vector<128x128xbf16>, vector<16384x128xf32> -> vector<16384x128xf32>
    %get3A_79 = arith.constant 0 : index
    %get3A_80 = arith.constant 0 : index
    %get3A_81 = vector.load %arg8[%get3A_79, %get3A_80] : memref<1x128xf32, #tpu.memory_space<vmem>>, vector<1x128xf32>
    %add3A_82 = vector.broadcast %get3A_81 : vector<1x128xf32> to vector<16384x128xf32>
    %add3A_83 = arith.addf %dot_general3A_78, %add3A_82 : vector<16384x128xf32>
    %reduce_sum3A_84 = arith.constant dense<0.000000e+00> : vector<128xf32>
    %reduce_sum3A_85 = vector.multi_reduction <add>, %add3A_83, %reduce_sum3A_84 [0] : vector<16384x128xf32> to vector<128xf32>
    %broadcast_in_dim3A_86 = vector.shape_cast %reduce_sum3A_85 : vector<128xf32> to vector<1x128xf32>
    %div3A_87 = arith.constant 1.638400e+04 : f32
    %div3A_88 = vector.broadcast %div3A_87 : f32 to vector<1x128xf32>
    %div3A_89 = arith.divf %broadcast_in_dim3A_86, %div3A_88 : vector<1x128xf32>
    %sub3A_90 = vector.broadcast %div3A_89 : vector<1x128xf32> to vector<16384x128xf32>
    %sub3A_91 = arith.subf %add3A_83, %sub3A_90 : vector<16384x128xf32>
    %integer_pow3A_92 = arith.mulf %sub3A_91, %sub3A_91 : vector<16384x128xf32>
    %reduce_sum3A_93 = arith.constant dense<0.000000e+00> : vector<128xf32>
    %reduce_sum3A_94 = vector.multi_reduction <add>, %integer_pow3A_92, %reduce_sum3A_93 [0] : vector<16384x128xf32> to vector<128xf32>
    %broadcast_in_dim3A_95 = vector.shape_cast %reduce_sum3A_94 : vector<128xf32> to vector<1x128xf32>
    %div3A_96 = arith.constant 1.638400e+04 : f32
    %div3A_97 = vector.broadcast %div3A_96 : f32 to vector<1x128xf32>
    %div3A_98 = arith.divf %broadcast_in_dim3A_95, %div3A_97 : vector<1x128xf32>
    %add3A_99 = arith.constant 9.99999974E-6 : f32
    %add3A_100 = vector.broadcast %add3A_99 : f32 to vector<1x128xf32>
    %add3A_101 = arith.addf %div3A_98, %add3A_100 : vector<1x128xf32>
    %rsqrt3A_102 = math.rsqrt %add3A_101 : vector<1x128xf32>
    %reshape3A_103 = vector.shape_cast %add3A_83 : vector<16384x128xf32> to vector<2048x8x128xf32>
    %reduce_max3A = arith.constant dense<0xFF800000> : vector<2048x128xf32>
    %reduce_max3A_104 = vector.multi_reduction <maximumf>, %reshape3A_103, %reduce_max3A [1] : vector<2048x8x128xf32> to vector<2048x128xf32>
    %sub3A_105 = vector.broadcast %div3A_89 : vector<1x128xf32> to vector<2048x128xf32>
    %sub3A_106 = arith.subf %reduce_max3A_104, %sub3A_105 : vector<2048x128xf32>
    %mul3A_107 = vector.broadcast %rsqrt3A_102 : vector<1x128xf32> to vector<2048x128xf32>
    %mul3A_108 = arith.mulf %sub3A_106, %mul3A_107 : vector<2048x128xf32>
    %max3A_109 = arith.constant 0.000000e+00 : f32
    %max3A_110 = vector.broadcast %max3A_109 : f32 to vector<2048x128xf32>
    %max3A_111 = arith.maximumf %mul3A_108, %max3A_110 : vector<2048x128xf32>
    %get3A_112 = arith.constant 0 : index
    %get3A_113 = arith.constant 0 : index
    %get3A_114 = arith.constant 0 : index
    %get3A_115 = vector.load %arg3[%get3A_112, %get3A_113, %get3A_114] : memref<1x3x2048xf32, #tpu.memory_space<vmem>>, vector<1x3x2048xf32>
    %get3A_116 = vector.shape_cast %get3A_115 : vector<1x3x2048xf32> to vector<3x2048xf32>
    %get3A_117 = arith.constant 0 : index
    %get3A_118 = arith.constant 0 : index
    %get3A_119 = vector.load %arg9[%get3A_117, %get3A_118] : memref<3x128xf32, #tpu.memory_space<vmem>>, vector<3x128xf32>
    %dot_general3A_120 = arith.constant dense<0.000000e+00> : vector<2048x128xf32>
    %dot_general3A_121 = tpu.matmul %get3A_116, %get3A_119, %dot_general3A_120 {dimension_numbers = #tpu.dot_dimension_numbers<[0], [0], [1], [1], [0, 1, 1, 1], [], []>, precision = #tpu.contract_precision<fp32>, transpose_lhs_hint = false} : vector<3x2048xf32>, vector<3x128xf32>, vector<2048x128xf32> -> vector<2048x128xf32>
    %convert_element_type3A_122 = arith.truncf %max3A_111 : vector<2048x128xf32> to vector<2048x128xbf16>
    %get3A_123 = arith.constant 0 : index
    %get3A_124 = arith.constant 0 : index
    %get3A_125 = vector.load %arg10[%get3A_123, %get3A_124] : memref<128x128xf32, #tpu.memory_space<vmem>>, vector<128x128xf32>
    %convert_element_type3A_126 = arith.truncf %get3A_125 : vector<128x128xf32> to vector<128x128xbf16>
    %dot_general3A_127 = arith.constant dense<0.000000e+00> : vector<2048x128xf32>
    %dot_general3A_128 = tpu.matmul %convert_element_type3A_122, %convert_element_type3A_126, %dot_general3A_127 {dimension_numbers = #tpu.dot_dimension_numbers<[1], [0], [0], [1], [0, 0, 1, 1], [], []>, transpose_lhs_hint = false} : vector<2048x128xbf16>, vector<128x128xbf16>, vector<2048x128xf32> -> vector<2048x128xf32>
    %add3A_129 = arith.addf %dot_general3A_121, %dot_general3A_128 : vector<2048x128xf32>
    %swap3A = arith.constant 0 : index
    %swap3A_130 = arith.constant 0 : index
    %swap3A_131 = arith.constant 0 : index
    %swap3A_132 = vector.load %arg11[%swap3A, %swap3A_130, %swap3A_131] : memref<1x2048x128xf32, #tpu.memory_space<vmem>>, vector<1x2048x128xf32>
    %swap3A_133 = vector.shape_cast %swap3A_132 : vector<1x2048x128xf32> to vector<2048x128xf32>
    %swap3A_134 = vector.shape_cast %add3A_129 : vector<2048x128xf32> to vector<1x2048x128xf32>
    tpu.vector_store %arg11[%swap3A, %swap3A_130, %swap3A_131], %swap3A_134 {strides = array<i32>} : memref<1x2048x128xf32, #tpu.memory_space<vmem>>, vector<1x2048x128xf32>,
    %swap3A_135 = arith.constant 0 : index
    %swap3A_136 = arith.constant 0 : index
    %swap3A_137 = arith.constant 0 : index
    %swap3A_138 = vector.load %arg12[%swap3A_135, %swap3A_136, %swap3A_137] : memref<1x2048x128xf32, #tpu.memory_space<vmem>>, vector<1x2048x128xf32>
    %swap3A_139 = vector.shape_cast %swap3A_138 : vector<1x2048x128xf32> to vector<2048x128xf32>
    %swap3A_140 = vector.shape_cast %dot_general3A_121 : vector<2048x128xf32> to vector<1x2048x128xf32>
    tpu.vector_store %arg12[%swap3A_135, %swap3A_136, %swap3A_137], %swap3A_140 {strides = array<i32>} : memref<1x2048x128xf32, #tpu.memory_space<vmem>>, vector<1x2048x128xf32>,
    return
  }
  func.func @transform_0(%arg0: i32) -> (i32, i32, i32, i32) {
    %c0_i32 = arith.constant 0 : i32
    %c0_i32_0 = arith.constant 0 : i32
    %c0_i32_1 = arith.constant 0 : i32
    %c0_i32_2 = arith.constant 0 : i32
    return %arg0, %c0_i32, %c0_i32_0, %c0_i32_1 : i32, i32, i32, i32
  }
  func.func @transform_1(%arg0: i32) -> (i32, i32, i32) {
    %c0_i32 = arith.constant 0 : i32
    %c0_i32_0 = arith.constant 0 : i32
    %c0_i32_1 = arith.constant 0 : i32
    return %arg0, %c0_i32, %c0_i32_0 : i32, i32, i32
  }
  func.func @transform_2(%arg0: i32) -> (i32, i32, i32) {
    %c0_i32 = arith.constant 0 : i32
    %c0_i32_0 = arith.constant 0 : i32
    %c0_i32_1 = arith.constant 0 : i32
    return %arg0, %c0_i32, %c0_i32_0 : i32, i32, i32
  }
  func.func @transform_3(%arg0: i32) -> (i32, i32) {
    %c0_i32 = arith.constant 0 : i32
    %c0_i32_0 = arith.constant 0 : i32
    %c0_i32_1 = arith.constant 0 : i32
    return %c0_i32, %c0_i32_0 : i32, i32
  }
  func.func @transform_4(%arg0: i32) -> (i32, i32) {
    %c0_i32 = arith.constant 0 : i32
    %c0_i32_0 = arith.constant 0 : i32
    %c0_i32_1 = arith.constant 0 : i32
    return %c0_i32, %c0_i32_0 : i32, i32
  }
  func.func @transform_5(%arg0: i32) -> (i32, i32) {
    %c0_i32 = arith.constant 0 : i32
    %c0_i32_0 = arith.constant 0 : i32
    %c0_i32_1 = arith.constant 0 : i32
    return %c0_i32, %c0_i32_0 : i32, i32
  }
  func.func @transform_6(%arg0: i32) -> (i32, i32) {
    %c0_i32 = arith.constant 0 : i32
    %c0_i32_0 = arith.constant 0 : i32
    %c0_i32_1 = arith.constant 0 : i32
    return %c0_i32, %c0_i32_0 : i32, i32
  }
  func.func @transform_7(%arg0: i32) -> (i32, i32) {
    %c0_i32 = arith.constant 0 : i32
    %c0_i32_0 = arith.constant 0 : i32
    %c0_i32_1 = arith.constant 0 : i32
    return %c0_i32, %c0_i32_0 : i32, i32
  }
  func.func @transform_8(%arg0: i32) -> (i32, i32) {
    %c0_i32 = arith.constant 0 : i32
    %c0_i32_0 = arith.constant 0 : i32
    %c0_i32_1 = arith.constant 0 : i32
    return %c0_i32, %c0_i32_0 : i32, i32
  }
  func.func @transform_9(%arg0: i32) -> (i32, i32) {
    %c0_i32 = arith.constant 0 : i32
    %c0_i32_0 = arith.constant 0 : i32
    %c0_i32_1 = arith.constant 0 : i32
    return %c0_i32, %c0_i32_0 : i32, i32
  }
  func.func @transform_10(%arg0: i32) -> (i32, i32, i32) {
    %c0_i32 = arith.constant 0 : i32
    %c0_i32_0 = arith.constant 0 : i32
    %c0_i32_1 = arith.constant 0 : i32
    return %arg0, %c0_i32, %c0_i32_0 : i32, i32, i32
  }
  func.func @transform_11(%arg0: i32) -> (i32, i32, i32) {
    %c0_i32 = arith.constant 0 : i32
    %c0_i32_0 = arith.constant 0 : i32
    %c0_i32_1 = arith.constant 0 : i32
    return %arg0, %c0_i32, %c0_i32_0 : i32, i32, i32
  }
}

module attributes {stable_mosaic.version = 14 : i64} {
  func.func @_sa2_kernel(%arg0: i32, %arg1: memref<1x2048x8x128xf32, #tpu.memory_space<vmem>>, %arg2: memref<1x2048x128xf32, #tpu.memory_space<vmem>>, %arg3: memref<1x128xf32, #tpu.memory_space<vmem>>, %arg4: memref<1x2048x128xf32, #tpu.memory_space<vmem>>) attributes {dimension_semantics = [#tpu.dimension_semantics<arbitrary>], iteration_bounds = array<i64: 4>, scalar_prefetch = 0 : i64, scratch_operands = 0 : i64, tpu.core_type = #tpu.core_type<tc>, window_params = [{transform_indices = @transform_0, window_bounds = array<i64: 1, 2048, 8, 128>}, {transform_indices = @transform_1, window_bounds = array<i64: 1, 2048, 128>}, {pipeline_mode = #tpu.pipeline_mode<synchronous>, transform_indices = @transform_2, window_bounds = array<i64: 1, 128>}, {transform_indices = @transform_3, window_bounds = array<i64: 1, 2048, 128>}]} {
    %get3A = arith.constant 0 : index
    %get3A_0 = arith.constant 0 : index
    %get3A_1 = arith.constant 0 : index
    %get3A_2 = arith.constant 0 : index
    %get3A_3 = vector.load %arg1[%get3A, %get3A_0, %get3A_1, %get3A_2] : memref<1x2048x8x128xf32, #tpu.memory_space<vmem>>, vector<1x2048x8x128xf32>
    %get3A_4 = vector.shape_cast %get3A_3 : vector<1x2048x8x128xf32> to vector<2048x8x128xf32>
    %get3A_5 = arith.constant 0 : index
    %get3A_6 = arith.constant 0 : index
    %get3A_7 = arith.constant 0 : index
    %get3A_8 = vector.load %arg2[%get3A_5, %get3A_6, %get3A_7] : memref<1x2048x128xf32, #tpu.memory_space<vmem>>, vector<1x2048x128xf32>
    %get3A_9 = vector.shape_cast %get3A_8 : vector<1x2048x128xf32> to vector<2048x128xf32>
    %broadcast_in_dim3A = vector.shape_cast %get3A_9 : vector<2048x128xf32> to vector<2048x1x128xf32>
    %sub3A = vector.broadcast %broadcast_in_dim3A : vector<2048x1x128xf32> to vector<2048x8x128xf32>
    %sub3A_10 = arith.subf %get3A_4, %sub3A : vector<2048x8x128xf32>
    %get3A_11 = arith.constant 0 : index
    %get3A_12 = arith.constant 0 : index
    %get3A_13 = vector.load %arg3[%get3A_11, %get3A_12] : memref<1x128xf32, #tpu.memory_space<vmem>>, vector<1x128xf32>
    %reshape3A = vector.shape_cast %get3A_13 : vector<1x128xf32> to vector<1x1x128xf32>
    %add3A = vector.broadcast %reshape3A : vector<1x1x128xf32> to vector<2048x8x128xf32>
    %add3A_14 = arith.addf %sub3A_10, %add3A : vector<2048x8x128xf32>
    %reduce_sum3A = arith.constant dense<0.000000e+00> : vector<128xf32>
    %reduce_sum3A_15 = vector.multi_reduction <add>, %add3A_14, %reduce_sum3A [0, 1] : vector<2048x8x128xf32> to vector<128xf32>
    %broadcast_in_dim3A_16 = vector.shape_cast %reduce_sum3A_15 : vector<128xf32> to vector<1x1x128xf32>
    %div3A = arith.constant 1.638400e+04 : f32
    %div3A_17 = vector.broadcast %div3A : f32 to vector<1x1x128xf32>
    %div3A_18 = arith.divf %broadcast_in_dim3A_16, %div3A_17 : vector<1x1x128xf32>
    %sub3A_19 = vector.broadcast %div3A_18 : vector<1x1x128xf32> to vector<2048x8x128xf32>
    %sub3A_20 = arith.subf %add3A_14, %sub3A_19 : vector<2048x8x128xf32>
    %integer_pow3A = arith.mulf %sub3A_20, %sub3A_20 : vector<2048x8x128xf32>
    %reduce_sum3A_21 = arith.constant dense<0.000000e+00> : vector<128xf32>
    %reduce_sum3A_22 = vector.multi_reduction <add>, %integer_pow3A, %reduce_sum3A_21 [0, 1] : vector<2048x8x128xf32> to vector<128xf32>
    %broadcast_in_dim3A_23 = vector.shape_cast %reduce_sum3A_22 : vector<128xf32> to vector<1x1x128xf32>
    %div3A_24 = arith.constant 1.638400e+04 : f32
    %div3A_25 = vector.broadcast %div3A_24 : f32 to vector<1x1x128xf32>
    %div3A_26 = arith.divf %broadcast_in_dim3A_23, %div3A_25 : vector<1x1x128xf32>
    %add3A_27 = arith.constant 9.99999974E-6 : f32
    %add3A_28 = vector.broadcast %add3A_27 : f32 to vector<1x1x128xf32>
    %add3A_29 = arith.addf %div3A_26, %add3A_28 : vector<1x1x128xf32>
    %rsqrt3A = math.rsqrt %add3A_29 : vector<1x1x128xf32>
    %reduce_max3A = arith.constant dense<0xFF800000> : vector<2048x128xf32>
    %reduce_max3A_30 = vector.multi_reduction <maximumf>, %add3A_14, %reduce_max3A [1] : vector<2048x8x128xf32> to vector<2048x128xf32>
    %squeeze3A = vector.shape_cast %div3A_18 : vector<1x1x128xf32> to vector<1x128xf32>
    %sub3A_31 = vector.broadcast %squeeze3A : vector<1x128xf32> to vector<2048x128xf32>
    %sub3A_32 = arith.subf %reduce_max3A_30, %sub3A_31 : vector<2048x128xf32>
    %squeeze3A_33 = vector.shape_cast %rsqrt3A : vector<1x1x128xf32> to vector<1x128xf32>
    %mul3A = vector.broadcast %squeeze3A_33 : vector<1x128xf32> to vector<2048x128xf32>
    %mul3A_34 = arith.mulf %sub3A_32, %mul3A : vector<2048x128xf32>
    %tanh3A = math.tanh %mul3A_34 : vector<2048x128xf32>
    %swap3A = arith.constant 0 : index
    %swap3A_35 = arith.constant 0 : index
    %swap3A_36 = arith.constant 0 : index
    %swap3A_37 = vector.load %arg4[%swap3A, %swap3A_35, %swap3A_36] : memref<1x2048x128xf32, #tpu.memory_space<vmem>>, vector<1x2048x128xf32>
    %swap3A_38 = vector.shape_cast %swap3A_37 : vector<1x2048x128xf32> to vector<2048x128xf32>
    %swap3A_39 = vector.shape_cast %tanh3A : vector<2048x128xf32> to vector<1x2048x128xf32>
    tpu.vector_store %arg4[%swap3A, %swap3A_35, %swap3A_36], %swap3A_39 {strides = array<i32>} : memref<1x2048x128xf32, #tpu.memory_space<vmem>>, vector<1x2048x128xf32>,
    return
  }
  func.func @transform_0(%arg0: i32) -> (i32, i32, i32, i32) {
    %c0_i32 = arith.constant 0 : i32
    %c0_i32_0 = arith.constant 0 : i32
    %c0_i32_1 = arith.constant 0 : i32
    %c0_i32_2 = arith.constant 0 : i32
    return %arg0, %c0_i32, %c0_i32_0, %c0_i32_1 : i32, i32, i32, i32
  }
  func.func @transform_1(%arg0: i32) -> (i32, i32, i32) {
    %c0_i32 = arith.constant 0 : i32
    %c0_i32_0 = arith.constant 0 : i32
    %c0_i32_1 = arith.constant 0 : i32
    return %arg0, %c0_i32, %c0_i32_0 : i32, i32, i32
  }
  func.func @transform_2(%arg0: i32) -> (i32, i32) {
    %c0_i32 = arith.constant 0 : i32
    %c0_i32_0 = arith.constant 0 : i32
    %c0_i32_1 = arith.constant 0 : i32
    return %c0_i32, %c0_i32_0 : i32, i32
  }
  func.func @transform_3(%arg0: i32) -> (i32, i32, i32) {
    %c0_i32 = arith.constant 0 : i32
    %c0_i32_0 = arith.constant 0 : i32
    %c0_i32_1 = arith.constant 0 : i32
    return %arg0, %c0_i32, %c0_i32_0 : i32, i32, i32
  }
}

</mosaic_0001>

<sc_bundles>
// kernel: kernel.12.cloned.1.call-start
scs
__scs_entry_jumppad:
0x0: {  	(pc) =	sbr.rel $0x88, $3  }
0x1: {  	(tag) =	ssettag $0x0;
	lr =	simm.s32 $0x1  }
0x2: {  	[smem:$0x3F97] =	sst lr;
	_ =	strace $0xD0000000  }
0x3: {  	_ = 	snop  }
0x4: {  	_ = 	snop  }
0x5: {  	_ = 	snop  }
0x6: {  	_ = 	snop  }
0x7: {  	_ = 	snop  }
__scs_overlays_trampoline_lowered:
0x8: {  	[smem:$0x3FA6] =	sst s0  }
0x9: {  	[smem:$0x3FA7] =	sst s1  }
0xa: {  	[smem:$0x3FA8] =	sst s2  }
0xb: {  	[smem:$0x3FA9] =	sst s3  }
0xc: {  	[smem:$0x3FAA] =	sst s4  }
0xd: {  	[smem:$0x3FAB] =	sst s5  }
0xe: {  	[smem:$0x3FAC] =	sst s6  }
0xf: {  	[smem:$0x3FAD] =	sst s7  }
0x10: {  	[smem:$0x3FAE] =	sst s8  }
0x11: {  	[smem:$0x3FAF] =	sst s9;
	s0 =	simm.s32 @!p0 $0x0  }
0x12: {  	s1 =	sld [smem:$0x3F95];
	s0 =	simm.s32 @p0 $0x1  }
0x13: {  	[smem:$0x3FB0] =	sst s0;
	s0 =	simm.s32 @!p1 $0x0  }
0x14: {  	s2 =	sld [smem:$0x3F94];
	s0 =	simm.s32 @p1 $0x1  }
0x15: {  	[smem:$0x3FB1] =	sst s0;
	s0 =	simm.s32 @!p2 $0x0  }
0x16: {  	s3 =	sld [smem:$0x3FDB];
	s0 =	simm.s32 @p2 $0x1  }
0x17: {  	s4 =	simm.s32 $0x1BF5;
	[smem:$0x3FB3] =	sst s0  }
0x18: {  	s0 =	sld [smem:$0x3F96];
	_ =	swait.ge [sflag:s4], $0x0  }
0x19: {  	s7 =	sld [smem:$0x3F97]  }
0x1a: {  	s8 =	sadd.s32 $0xFFFFE003, lr  }
0x1b: {  	s9 =	sadd.s32 $0xFFFFFEF7, lr;
	s5 =	simm.s32 $0xFFFFFFFF;
	p2 =	slt.u32 s8, $0xFFFFF086  }
0x1c: {  	p1 =	slt.u32 s9, $0xF7A;
	s5 =	simm.s32 @!p2 $0x0  }
0x1d: {  	s5 =	simm.s32 @p1 $0x1;
	p0 =	seq.s32 s7, s2  }
0x1e: {  	s7 =	smul.u32 @!p0 $0xF7A, s2;
	p2 =	seq.s32 @!p0 s5, $0x0  }
0x1f: {  	s9 =	smul.u32 $0xF7A, s1;
	s8 =	simm.s32 @!p0 $0x1BF5;
	p2 =	por !p2, p0  }
0x20: {  	[sflag:s8] =	ssyncset.s32 @!p0 $0xFFFFF086;
	s6 =	sadd.s32 @!p0 s3, s7;
	s7 =	simm.s32 @!p0 $0x108  }
0x21: {  	s3 =	sadd.s32 s3, s9;
	s6 =	sadd.s32 @!p0 $0x88, s6;
	s7 =	simm.s32 @p2 $0x1082  }
0x22: {  	[simem:s7], [sflag:s8] =	dma.local @!p0 [hbm:s6], $0xF7A  }
0x23: {  	s9 =	sor.u32 $0xD0000000, s2;
	s6 =	simm.s32 $0x108;
	_ =	swait.ge @!p0 [sflag:s8], $0x0  }
0x24: {  	s3 =	sadd.s32 $0x88, s3;
	s6 =	simm.s32 @!p1 $0x1082;
	[sflag:s4] =	ssyncset.s32 $0xFFFFF086  }
0x25: {  	[simem:s6], [sflag:s4] =	dma.local [hbm:s3], $0xF7A  }
0x26: {  	[smem:$0x3F97] =	sst s1;
	(tag) =	ssettag s2;
	_ =	strace s9  }
0x27: {  	s1 =	sld [smem:$0x3FA7]  }
0x28: {  	s2 =	sld [smem:$0x3FA8]  }
0x29: {  	s4 =	sld [smem:$0x3FAA]  }
0x2a: {  	p0 =	seq.s32 s5, $0x0;
	s5 =	sld [smem:$0x3FAB]  }
0x2b: {  	s6 =	sld [smem:$0x3FAC]  }
0x2c: {  	s7 =	sld [smem:$0x3FAD]  }
0x2d: {  	s3 =	simm.s32 $0x108;
	s8 =	sld [smem:$0x3FAE]  }
0x2e: {  	s3 =	simm.s32 @!p0 $0x1082;
	s9 =	sld [smem:$0x3FAF]  }
0x2f: {  	lr =	sadd.s32 s0, s3;
	s0 =	sld [smem:$0x3FA6]  }
0x30: {  	s3 =	sld [smem:$0x3FA9]  }
0x31: {  	[smem:$0x3FB2] =	sst s10  }
0x32: {  	s10 =	sld [smem:$0x3FB0];
	_ =	sdelay $0x3  }
0x33: {  	p0 =	seq.s32 s10, $0x1;
	s10 =	sld [smem:$0x3FB2];
	_ =	sdelay $0x3  }
0x34: {  	[smem:$0x3FB2] =	sst s10  }
0x35: {  	s10 =	sld [smem:$0x3FB1];
	_ =	sdelay $0x3  }
0x36: {  	p1 =	seq.s32 s10, $0x1;
	s10 =	sld [smem:$0x3FB2];
	_ =	sdelay $0x3  }
0x37: {  	[smem:$0x3FB2] =	sst s10  }
0x38: {  	s10 =	sld [smem:$0x3FB3]  }
0x39: {  	_ = 	snop;
	(pc) =	sbr.ind lr, $3  }
0x3a: {  	_ = 	snop  }
0x3b: {  	_ = 	snop  }
0x3c: {  	p2 =	seq.s32 s10, $0x1;
	s10 =	sld [smem:$0x3FB2]  }
0x3d: {  	_ =	shalt  }
0x3e: {  	_ =	shalt  }
0x3f: {  	_ =	shalt  }
0x40: {  	_ =	shalt  }
0x41: {  	_ =	shalt  }
0x42: {  	_ =	shalt  }
0x43: {  	_ =	shalt  }
0x44: {  	_ =	shalt  }
0x45: {  	_ =	shalt  }
0x46: {  	_ =	shalt  }
0x47: {  	_ =	shalt  }
0x48: {  	_ =	shalt  }
0x49: {  	_ =	shalt  }
0x4a: {  	_ =	shalt  }
0x4b: {  	_ =	shalt  }
0x4c: {  	_ =	shalt  }
0x4d: {  	_ =	shalt  }
0x4e: {  	_ =	shalt  }
0x4f: {  	_ =	shalt  }
0x50: {  	_ =	shalt  }
0x51: {  	_ =	shalt  }
0x52: {  	_ =	shalt  }
0x53: {  	_ =	shalt  }
0x54: {  	_ =	shalt  }
0x55: {  	_ =	shalt  }
0x56: {  	_ =	shalt  }
0x57: {  	_ =	shalt  }
0x58: {  	_ =	shalt  }
0x59: {  	_ =	shalt  }
0x5a: {  	_ =	shalt  }
0x5b: {  	_ =	shalt  }
0x5c: {  	_ =	shalt  }
0x5d: {  	_ =	shalt  }
0x5e: {  	_ =	shalt  }
0x5f: {  	_ =	shalt  }
0x60: {  	_ =	shalt  }
0x61: {  	_ =	shalt  }
0x62: {  	_ =	shalt  }
0x63: {  	_ =	shalt  }
0x64: {  	_ =	shalt  }
0x65: {  	_ =	shalt  }
0x66: {  	_ =	shalt  }
0x67: {  	_ =	shalt  }
0x68: {  	_ =	shalt  }
0x69: {  	_ =	shalt  }
0x6a: {  	_ =	shalt  }
0x6b: {  	_ =	shalt  }
0x6c: {  	_ =	shalt  }
0x6d: {  	_ =	shalt  }
0x6e: {  	_ =	shalt  }
0x6f: {  	_ =	shalt  }
0x70: {  	_ =	shalt  }
0x71: {  	_ =	shalt  }
0x72: {  	_ =	shalt  }
0x73: {  	_ =	shalt  }
0x74: {  	_ =	shalt  }
0x75: {  	_ =	shalt  }
0x76: {  	_ =	shalt  }
0x77: {  	_ =	shalt  }
0x78: {  	_ =	shalt  }
0x79: {  	_ =	shalt  }
0x7a: {  	_ =	shalt  }
0x7b: {  	_ =	shalt  }
0x7c: {  	_ =	shalt  }
0x7d: {  	_ =	shalt  }
0x7e: {  	_ =	shalt  }
0x7f: {  	_ =	shalt  }
0x80: {  	_ =	shalt  }
0x81: {  	_ =	shalt  }
0x82: {  	_ =	shalt  }
0x83: {  	_ =	shalt  }
0x84: {  	_ =	shalt  }
0x85: {  	_ =	shalt  }
0x86: {  	_ =	shalt  }
0x87: {  	_ =	shalt  }
.Lfunc_end0:
.L_simem_size_0:
called_computation_lowered:
.L_overlay_start_0:
0x88: {  	s2 =	sld [smem:$0x3FD9]  }
0x89: {  	s3 =	sld [smem:$0x3FFE];
	_ =	sdelay $0x1  }
0x8a: {  	s1 =	srdreg.scid  }
0x8b: {  	s0 =	sand.u32 $0x1, s1  }
0x8c: {  	s16 =	sshll.u32 s0, $0xA;
	s2 =	sadd.s32 s3, s2  }
0x8d: {  	s2 =	sadd.s32 s2, s16  }
0x8e: {  	[smem:$0x3FBE] =	sst s2  }
0x8f: {  	_ = 	snop  }
0x90: {  	(tm) =	ssettm $0x1  }
0x91: {  	s17 =	sld [smem:$0x3FFB];
	_ =	sdelay $0x3  }
0x92: {  	_ =	strace s17  }
0x93: {  	s2 =	sld [smem:$0x3FFC];
	_ =	sdelay $0x3  }
0x94: {  	_ =	strace s2  }
0x95: {  	s2 =	sld [smem:$0x3FFD];
	_ =	sdelay $0x3  }
0x96: {  	_ =	strace s2  }
0x97: {  	_ =	strace $0x8FFFFFFF  }
0x98: {  	s18 =	sld [smem:$0x3FDB];
	_ =	sdelay $0x1  }
0x99: {  	s19 =	simm.s32 $_scs_section_size  }
0x9a: {  	s4 =	simm.s32 $_size__tile_overlayer_lowered;
	s5 =	simm.s32 $_tile_overlayer_lowered  }
0x9b: {  	s22 =	simm.s32 $0x1BFF;
	s21 =	sshll.u32 s5, $0x1;
	s2 =	sadd.s32 s19, s18  }
0x9c: {  	s6 =	simm.s32 $0x0;
	s20 =	sshll.u32 s4, $0x1;
	s4 =	sadd.s32 s21, s2  }
0x9d: {  	[timem:s6], [sflag:s22] =	dma.local [hbm:s4], s20  }
0x9e: {  	_ =	swait.ge [sflag:s22], s20  }
0x9f: {  	s3 =	ssub.s32 $0x0, s20;
	[sflag:s22] =	ssyncset.done $0x0  }
0xa0: {  	[sflag:s22] =	ssyncadd.s32 s3;
	_ =	sdelay $0x1  }
0xa1: {  	s23 =	simm.s32 $0x1B8B  }
0xa2: {  	_ =	swait.ge [sflag:s23], $0x1  }
0xa3: {  	[sflag:s23] =	ssyncset.done $0x0  }
0xa4: {  	s25 =	simm.s32 $0x1B8E;
	s24 =	sld [smem:$0x3FFE];
	[sflag:s23] =	ssyncadd.s32 $0xFFFFFFFF  }
0xa5: {  	s26 =	simm.s32 $execute0_lowered;
	[smem:$0x3FD2] =	sst s25  }
0xa6: {  	s4 =	sshll.u32 s26, $0x1;
	_ =	strace $0x80000046;
	[dreg:$0x1] =	wrdreg $0xFFFFFFFF  }
0xa7: {  	s28 =	simm.s32 $_size_execute0_lowered;
	s2 =	sadd.s32 s2, s4;
	[dreg:$0x0] =	wrdreg $0x0  }
0xa8: {  	s4 =	sshll.u32 s28, $0x1;
	[dreg:$0x2] =	wrdreg s2  }
0xa9: {  	[dreg:$0x3] =	wrdreg s4  }
0xaa: {  	[dreg:$0x4] =	wrdreg $0xC0  }
0xab: {  	_ =	task [dreg:s6], $0x5FFFF  }
0xac: {  	[dreg:$0x1] =	wrdreg $0xFFFFFFFF  }
0xad: {  	[dreg:$0x0] =	wrdreg $0x60  }
0xae: {  	[dreg:$0x2] =	wrdreg s24  }
0xaf: {  	[dreg:$0x3] =	wrdreg $0x9  }
0xb0: {  	_ =	task.clear_ibuf [dreg:s6], $0x4FFFF;
	_ =	strace $0x90000046  }
0xb1: {  	s29 =	simm.s32 $0x9;
	_ =	strace $0x80000048  }
0xb2: {  	_ =	swait.ge [sflag:s29], $0x1  }
0xb3: {  	[sflag:s29] =	ssyncadd.s32 $0xFFFFFFFF  }
0xb4: {  	_ =	strace $0x90000048  }
0xb5: {  	_ =	sfence  }
0xb6: {  	s30 =	sld [smem:$0x0];
	_ =	sdelay $0x2  }
0xb7: {  	s31 =	sshll.u32 s1, $0xD;
	s1 =	sshrl.u32 s1, $0x2  }
0xb8: {  	s3 =	sand.u32 $0x4000, s31;
	s1 =	sadd.s32 s1, s30  }
0xb9: {  	s0 =	sor.u32 s3, s0;
	s1 =	sshll.u32 s1, $0x11  }
0xba: {  	s0 =	sor.u32 s1, s0  }
0xbb: {  	s0 =	sadd.s32 $0x8F2B, s0  }
0xbc: {  	[sflag:s0] =	ssyncadd.remote.s32 $0x1  }
0xbd: {  	_ =	sfence.sel $0xFFFF  }
0xbe: {  	[dreg:$0x0] =	wrdreg $0xFFFFFFFF;
	(pc) =	sbr.abs _section_cstart, $3  }
0xbf: {  	[dreg:$0x1] =	wrdreg $0xFFFFFFFF  }
0xc0: {  	_ =	task.clear_ibuf [dreg:s6], $0x2FFFF;
	_ =	strace $0x9FFFFFFF  }
0xc1: {  	(tm) =	ssettm $0x7FFFFFFF  }
tec
execute0_lowered:
.L_overlay_start_1:
0x0: {  	(tag) =	ssettag $0x1  }
0x1: {  	s4 =	rddreg [dreg:$0x0]  }
0x2: {  	s0 =	rddreg [dreg:$0x1];
	s2 =	simm.s32 $0x0;
	s3 =	srdreg.scid  }
0x3: {  	s1 =	stileid.u32;
	s10 =	simm.s32 $0xC00;
	s11 =	simm.s32 $0x4C00  }
0x4: {  	s12 =	simm.s32 $0x1;
	s13 =	simm.s32 $0x2;
	s14 =	simm.s32 $0x0  }
0x5: {  	[smem:$0x7FF] =	sst s2;
	s5 =	sand.u32 $0x1, s3;
	s6 =	sshll.u32 s1, $0x9  }
0x6: {  	s3 =	sadd.s32 $0x3400, s4;
	s8 =	sshll.u32 s1, $0x10;
	_ =	strace $0x80000047  }
0x7: {  	s7 =	sshll.u32 s5, $0x8;
	s29 =	ssub.s32 $0x2, s5;
	s8 =	sadd.s32 s8, s4  }
0x8: {  	s30 =	sshll.u32 s5, $0xF;
	s6 =	sor.u32 s7, s6;
	s9 =	sshrl.u32 s29, $0x1  }
0x9: {  	s31 =	sadd.s32 s30, s8;
	s8 =	simm.s32 $0x800;
	s6 =	sadd.s32 s6, s4  }
0xa: {  	s7 =	ssub.s32 s29, s9;
	s9 =	simm.s32 $0x80;
	s4 =	sadd.s32 $0x23400, s6  }
0xb: {  	s5 =	smax.u32 s7, $0x1;
	s6 =	sadd.s32 $0x25400, s31;
	s7 =	simm.s32 $0x3  }
.LBB2_1:
0xc: {  	[tilespmem:s2], [sflag:$0x3] =	stream.linear.gather [hbm4b:s4+s2], $0x800, $0x38;
	[tilespmem:$0x8C00] =	vst v63  }
0xd: {  	_ =	swait.ge [sflag:s7], $0x800  }
0xe: {  	[sflag:s7] =	ssyncset.done $0x0  }
0xf: {  	[sflag:s7] =	ssyncadd.s32 $0xFFFFF800  }
0x10: {  	[tilespmem:s8], [sflag:$0x3] =	stream.linear.gather [hbm4b:s4+s2], $0x100, $0x38;
	[tilespmem:$0x8C00] =	vst v63  }
0x11: {  	_ =	swait.ge [sflag:s7], $0x100  }
0x12: {  	[sflag:s7] =	ssyncset.done $0x0  }
0x13: {  	[sflag:s7] =	ssyncadd.s32 $0xFFFFFF00  }
0x14: {  	[tilespmem:s10], [sflag:$0x1] =	stream.indirect.gather [hbm4b:s3+s9], $0x80, s2, s9, $0xb8;
	[tilespmem:$0x8C00] =	vst v63  }
0x15: {  	_ = 	snop  }
0x16: {  	[tilespmem:s11], [sflag:$0x2] =	stream.indirect.gather [hbm4b:s3+s9], $0x80, s9, s9, $0xb8;
	[tilespmem:$0x8C00] =	vst v63  }
0x17: {  	_ =	swait.ge [sflag:s12], $0x4000  }
0x18: {  	[sflag:s12] =	ssyncset.done $0x0  }
0x19: {  	s15 =	sadd.s32 $0x0, s6;
	[sflag:s12] =	ssyncadd.s32 $0xFFFFC000  }
0x1a: {  	[hbm4b:s15+s2] =	stream.linear.scatter [tilespmem:s10], [sflag:$0x3], $0x4000, $0x38;
	[tilespmem:$0x8C00] =	vst v63  }
0x1b: {  	_ =	swait.ge [sflag:s7], $0x4000  }
0x1c: {  	[sflag:s7] =	ssyncset.done $0x0  }
0x1d: {  	s16 =	simm.s32 $0x100;
	[sflag:s7] =	ssyncadd.s32 $0xFFFFC000  }
0x1e: {  	[tilespmem:s10], [sflag:$0x1] =	stream.indirect.gather [hbm4b:s3+s9], $0x80, s16, s9, $0xb8;
	[tilespmem:$0x8C00] =	vst v63  }
0x1f: {  	_ =	swait.ge [sflag:s13], $0x4000  }
0x20: {  	[sflag:s13] =	ssyncset.done $0x0  }
0x21: {  	s15 =	sadd.s32 $0x800, s15;
	[sflag:s13] =	ssyncadd.s32 $0xFFFFC000  }
0x22: {  	[hbm4b:s15+s2] =	stream.linear.scatter [tilespmem:s11], [sflag:$0x3], $0x4000, $0x38;
	[tilespmem:$0x8C00] =	vst v63  }
0x23: {  	_ =	swait.ge [sflag:s7], $0x4000  }
0x24: {  	s17 =	simm.s32 $0x280;
	[sflag:s7] =	ssyncset.done $0x0  }
0x25: {  	s16 =	simm.s32 $0x1000;
	s15 =	simm.s32 $0x180;
	[sflag:s7] =	ssyncadd.s32 $0xFFFFC000  }
.LBB2_2:
0x26: {  	[tilespmem:s11], [sflag:$0x2] =	stream.indirect.gather [hbm4b:s3+s9], $0x80, s15, s9, $0xb8;
	[tilespmem:$0x8C00] =	vst v63  }
0x27: {  	s18 =	smov.u32 s16;
	s15 =	smov.u32 s17  }
0x28: {  	p0 =	sne.s32 s16, $0x7000;
	s16 =	sadd.s32 $0x1000, s16;
	_ =	swait.ge [sflag:s12], $0x4000  }
0x29: {  	[sflag:s12] =	ssyncset.done $0x0  }
0x2a: {  	s18 =	sadd.s32 s18, s6;
	[sflag:s12] =	ssyncadd.s32 $0xFFFFC000  }
0x2b: {  	[hbm4b:s18+s2] =	stream.linear.scatter [tilespmem:s10], [sflag:$0x3], $0x4000, $0x38;
	[tilespmem:$0x8C00] =	vst v63  }
0x2c: {  	_ =	swait.ge [sflag:s7], $0x4000  }
0x2d: {  	[sflag:s7] =	ssyncset.done $0x0  }
0x2e: {  	s19 =	sadd.s32 $0xFFFFFF80, s17;
	[sflag:s7] =	ssyncadd.s32 $0xFFFFC000  }
0x2f: {  	[tilespmem:s10], [sflag:$0x1] =	stream.indirect.gather [hbm4b:s3+s9], $0x80, s19, s9, $0xb8;
	[tilespmem:$0x8C00] =	vst v63  }
0x30: {  	_ =	swait.ge [sflag:s13], $0x4000  }
0x31: {  	[sflag:s13] =	ssyncset.done $0x0  }
.Ltmp0:
0x32: {  	s18 =	sadd.s32 $0x800, s18;
	[sflag:s13] =	ssyncadd.s32 $0xFFFFC000;
	(pc) =	sbr.rel @p0 .LBB2_2-.Ltmp0, $4  }
0x33: {  	[hbm4b:s18+s2] =	stream.linear.scatter [tilespmem:s11], [sflag:$0x3], $0x4000, $0x38;
	[tilespmem:$0x8C00] =	vst v63  }
0x34: {  	_ =	swait.ge [sflag:s7], $0x4000  }
0x35: {  	[sflag:s7] =	ssyncset.done $0x0  }
0x36: {  	s17 =	sadd.s32 $0x100, s17;
	[sflag:s7] =	ssyncadd.s32 $0xFFFFC000  }
0x37: {  	[tilespmem:s11], [sflag:$0x2] =	stream.indirect.gather [hbm4b:s3+s9], $0x80, s15, s9, $0xb8;
	[tilespmem:$0x8C00] =	vst v63  }
0x38: {  	s14 =	sadd.s32 $0x1, s14  }
0x39: {  	_ =	swait.ge [sflag:s12], $0x4000;
	p0 =	sne.s32 s14, s5  }
.Ltmp1:
0x3a: {  	[sflag:s12] =	ssyncset.done $0x0;
	(pc) =	sbr.rel @p0 .LBB2_1-.Ltmp1, $4  }
0x3b: {  	[sflag:s12] =	ssyncadd.s32 $0xFFFFC000  }
0x3c: {  	_ =	swait.ge [sflag:s13], $0x4000  }
0x3d: {  	[sflag:s13] =	ssyncset.done $0x0  }
0x3e: {  	[sflag:s13] =	ssyncadd.s32 $0xFFFFC000  }
0x3f: {  	_ =	sfence.sel $0x180000  }
0x40: {  	[bflag:$0x0] =	sbarrier.arrive $0xFFFF  }
0x41: {  	p0 =	sne.s32 s1, $0x0;
	_ =	strace $0x90000047  }
0x42: {  	s0 =	sadd.s32 @!p0 $0x100000, s0;
	[bflag:$0x2] =	sbarrier.arrive $0xFFFF  }
0x43: {  	[sflag:s0] =	ssyncadd.tile.s32 @!p0 $0x1;
	_ =	shalt  }
.Lfunc_end2:
_tile_overlayer_lowered:
.L_overlay_start_2:
0x44: {  	(tag) =	ssettag $0x2  }
0x45: {  	s0 =	rddreg [dreg:$0x0];
	s2 =	stileid.u32  }
0x46: {  	s1 =	rddreg [dreg:$0x1];
	p0 =	sne.s32 s2, $0x0  }
0x47: {  	s3 =	rddreg [dreg:$0x2];
	[bflag:$0x3] =	sbarrier.arrive $0xFFFF;
	s2 =	simm.s32 @!p0 $0x1C03  }
0x48: {  	[timem:s3], [sflag:s2] =	dma.local @!p0 [hbm:s0], s1  }
0x49: {  	s0 =	simm.s32 @!p0 $0x3  }
0x4a: {  	_ =	swait.ge @!p0 [sflag:s0], s1  }
0x4b: {  	s1 =	ssub.s32 @!p0 $0x0, s1;
	[sflag:s0] =	ssyncset.done @!p0 $0x0  }
0x4c: {  	[sflag:s0] =	ssyncadd.s32 @!p0 s1  }
0x4d: {  	[bflag:$0x3] =	sbarrier.arrive $0xFFFF  }
0x4e: {  	_ =	shalt  }

// kernel: kernel.15.cloned.1.call-start
scs
__scs_entry_jumppad:
0x0: {  	(pc) =	sbr.rel $0x88, $3  }
0x1: {  	(tag) =	ssettag $0x0;
	lr =	simm.s32 $0x1  }
0x2: {  	[smem:$0x3F97] =	sst lr;
	_ =	strace $0xD0000000  }
0x3: {  	_ = 	snop  }
0x4: {  	_ = 	snop  }
0x5: {  	_ = 	snop  }
0x6: {  	_ = 	snop  }
0x7: {  	_ = 	snop  }
__scs_overlays_trampoline_lowered:
0x8: {  	[smem:$0x3FA6] =	sst s0  }
0x9: {  	[smem:$0x3FA7] =	sst s1  }
0xa: {  	[smem:$0x3FA8] =	sst s2  }
0xb: {  	[smem:$0x3FA9] =	sst s3  }
0xc: {  	[smem:$0x3FAA] =	sst s4  }
0xd: {  	[smem:$0x3FAB] =	sst s5  }
0xe: {  	[smem:$0x3FAC] =	sst s6  }
0xf: {  	[smem:$0x3FAD] =	sst s7  }
0x10: {  	[smem:$0x3FAE] =	sst s8  }
0x11: {  	[smem:$0x3FAF] =	sst s9;
	s0 =	simm.s32 @!p0 $0x0  }
0x12: {  	s1 =	sld [smem:$0x3F95];
	s0 =	simm.s32 @p0 $0x1  }
0x13: {  	[smem:$0x3FB0] =	sst s0;
	s0 =	simm.s32 @!p1 $0x0  }
0x14: {  	s2 =	sld [smem:$0x3F94];
	s0 =	simm.s32 @p1 $0x1  }
0x15: {  	[smem:$0x3FB1] =	sst s0;
	s0 =	simm.s32 @!p2 $0x0  }
0x16: {  	s3 =	sld [smem:$0x3FDB];
	s0 =	simm.s32 @p2 $0x1  }
0x17: {  	s4 =	simm.s32 $0x1BF5;
	[smem:$0x3FB3] =	sst s0  }
0x18: {  	s0 =	sld [smem:$0x3F96];
	_ =	swait.ge [sflag:s4], $0x0  }
0x19: {  	s7 =	sld [smem:$0x3F97]  }
0x1a: {  	s8 =	sadd.s32 $0xFFFFE003, lr  }
0x1b: {  	s9 =	sadd.s32 $0xFFFFFEF7, lr;
	s5 =	simm.s32 $0xFFFFFFFF;
	p2 =	slt.u32 s8, $0xFFFFF086  }
0x1c: {  	p1 =	slt.u32 s9, $0xF7A;
	s5 =	simm.s32 @!p2 $0x0  }
0x1d: {  	s5 =	simm.s32 @p1 $0x1;
	p0 =	seq.s32 s7, s2  }
0x1e: {  	s7 =	smul.u32 @!p0 $0xF7A, s2;
	p2 =	seq.s32 @!p0 s5, $0x0  }
0x1f: {  	s9 =	smul.u32 $0xF7A, s1;
	s8 =	simm.s32 @!p0 $0x1BF5;
	p2 =	por !p2, p0  }
0x20: {  	[sflag:s8] =	ssyncset.s32 @!p0 $0xFFFFF086;
	s6 =	sadd.s32 @!p0 s3, s7;
	s7 =	simm.s32 @!p0 $0x108  }
0x21: {  	s3 =	sadd.s32 s3, s9;
	s6 =	sadd.s32 @!p0 $0x88, s6;
	s7 =	simm.s32 @p2 $0x1082  }
0x22: {  	[simem:s7], [sflag:s8] =	dma.local @!p0 [hbm:s6], $0xF7A  }
0x23: {  	s9 =	sor.u32 $0xD0000000, s2;
	s6 =	simm.s32 $0x108;
	_ =	swait.ge @!p0 [sflag:s8], $0x0  }
0x24: {  	s3 =	sadd.s32 $0x88, s3;
	s6 =	simm.s32 @!p1 $0x1082;
	[sflag:s4] =	ssyncset.s32 $0xFFFFF086  }
0x25: {  	[simem:s6], [sflag:s4] =	dma.local [hbm:s3], $0xF7A  }
0x26: {  	[smem:$0x3F97] =	sst s1;
	(tag) =	ssettag s2;
	_ =	strace s9  }
0x27: {  	s1 =	sld [smem:$0x3FA7]  }
0x28: {  	s2 =	sld [smem:$0x3FA8]  }
0x29: {  	s4 =	sld [smem:$0x3FAA]  }
0x2a: {  	p0 =	seq.s32 s5, $0x0;
	s5 =	sld [smem:$0x3FAB]  }
0x2b: {  	s6 =	sld [smem:$0x3FAC]  }
0x2c: {  	s7 =	sld [smem:$0x3FAD]  }
0x2d: {  	s3 =	simm.s32 $0x108;
	s8 =	sld [smem:$0x3FAE]  }
0x2e: {  	s3 =	simm.s32 @!p0 $0x1082;
	s9 =	sld [smem:$0x3FAF]  }
0x2f: {  	lr =	sadd.s32 s0, s3;
	s0 =	sld [smem:$0x3FA6]  }
0x30: {  	s3 =	sld [smem:$0x3FA9]  }
0x31: {  	[smem:$0x3FB2] =	sst s10  }
0x32: {  	s10 =	sld [smem:$0x3FB0];
	_ =	sdelay $0x3  }
0x33: {  	p0 =	seq.s32 s10, $0x1;
	s10 =	sld [smem:$0x3FB2];
	_ =	sdelay $0x3  }
0x34: {  	[smem:$0x3FB2] =	sst s10  }
0x35: {  	s10 =	sld [smem:$0x3FB1];
	_ =	sdelay $0x3  }
0x36: {  	p1 =	seq.s32 s10, $0x1;
	s10 =	sld [smem:$0x3FB2];
	_ =	sdelay $0x3  }
0x37: {  	[smem:$0x3FB2] =	sst s10  }
0x38: {  	s10 =	sld [smem:$0x3FB3]  }
0x39: {  	_ = 	snop;
	(pc) =	sbr.ind lr, $3  }
0x3a: {  	_ = 	snop  }
0x3b: {  	_ = 	snop  }
0x3c: {  	p2 =	seq.s32 s10, $0x1;
	s10 =	sld [smem:$0x3FB2]  }
0x3d: {  	_ =	shalt  }
0x3e: {  	_ =	shalt  }
0x3f: {  	_ =	shalt  }
0x40: {  	_ =	shalt  }
0x41: {  	_ =	shalt  }
0x42: {  	_ =	shalt  }
0x43: {  	_ =	shalt  }
0x44: {  	_ =	shalt  }
0x45: {  	_ =	shalt  }
0x46: {  	_ =	shalt  }
0x47: {  	_ =	shalt  }
0x48: {  	_ =	shalt  }
0x49: {  	_ =	shalt  }
0x4a: {  	_ =	shalt  }
0x4b: {  	_ =	shalt  }
0x4c: {  	_ =	shalt  }
0x4d: {  	_ =	shalt  }
0x4e: {  	_ =	shalt  }
0x4f: {  	_ =	shalt  }
0x50: {  	_ =	shalt  }
0x51: {  	_ =	shalt  }
0x52: {  	_ =	shalt  }
0x53: {  	_ =	shalt  }
0x54: {  	_ =	shalt  }
0x55: {  	_ =	shalt  }
0x56: {  	_ =	shalt  }
0x57: {  	_ =	shalt  }
0x58: {  	_ =	shalt  }
0x59: {  	_ =	shalt  }
0x5a: {  	_ =	shalt  }
0x5b: {  	_ =	shalt  }
0x5c: {  	_ =	shalt  }
0x5d: {  	_ =	shalt  }
0x5e: {  	_ =	shalt  }
0x5f: {  	_ =	shalt  }
0x60: {  	_ =	shalt  }
0x61: {  	_ =	shalt  }
0x62: {  	_ =	shalt  }
0x63: {  	_ =	shalt  }
0x64: {  	_ =	shalt  }
0x65: {  	_ =	shalt  }
0x66: {  	_ =	shalt  }
0x67: {  	_ =	shalt  }
0x68: {  	_ =	shalt  }
0x69: {  	_ =	shalt  }
0x6a: {  	_ =	shalt  }
0x6b: {  	_ =	shalt  }
0x6c: {  	_ =	shalt  }
0x6d: {  	_ =	shalt  }
0x6e: {  	_ =	shalt  }
0x6f: {  	_ =	shalt  }
0x70: {  	_ =	shalt  }
0x71: {  	_ =	shalt  }
0x72: {  	_ =	shalt  }
0x73: {  	_ =	shalt  }
0x74: {  	_ =	shalt  }
0x75: {  	_ =	shalt  }
0x76: {  	_ =	shalt  }
0x77: {  	_ =	shalt  }
0x78: {  	_ =	shalt  }
0x79: {  	_ =	shalt  }
0x7a: {  	_ =	shalt  }
0x7b: {  	_ =	shalt  }
0x7c: {  	_ =	shalt  }
0x7d: {  	_ =	shalt  }
0x7e: {  	_ =	shalt  }
0x7f: {  	_ =	shalt  }
0x80: {  	_ =	shalt  }
0x81: {  	_ =	shalt  }
0x82: {  	_ =	shalt  }
0x83: {  	_ =	shalt  }
0x84: {  	_ =	shalt  }
0x85: {  	_ =	shalt  }
0x86: {  	_ =	shalt  }
0x87: {  	_ =	shalt  }
.Lfunc_end0:
.L_simem_size_0:
called_computation.1_lowered:
.L_overlay_start_0:
0x88: {  	s2 =	sld [smem:$0x3FD9]  }
0x89: {  	s3 =	sld [smem:$0x3FFE];
	_ =	sdelay $0x1  }
0x8a: {  	s1 =	srdreg.scid  }
0x8b: {  	s0 =	sand.u32 $0x1, s1  }
0x8c: {  	s17 =	sshll.u32 s0, $0xA;
	s2 =	sadd.s32 s3, s2  }
0x8d: {  	s2 =	sadd.s32 s2, s17  }
0x8e: {  	[smem:$0x3FBE] =	sst s2  }
0x8f: {  	_ = 	snop  }
0x90: {  	(tm) =	ssettm $0x1  }
0x91: {  	s18 =	sld [smem:$0x3FFB];
	_ =	sdelay $0x3  }
0x92: {  	_ =	strace s18  }
0x93: {  	s2 =	sld [smem:$0x3FFC];
	_ =	sdelay $0x3  }
0x94: {  	_ =	strace s2  }
0x95: {  	s2 =	sld [smem:$0x3FFD];
	_ =	sdelay $0x3  }
0x96: {  	_ =	strace s2  }
0x97: {  	_ =	strace $0x8FFFFFFF  }
0x98: {  	s19 =	sld [smem:$0x3FDB];
	_ =	sdelay $0x1  }
0x99: {  	s20 =	simm.s32 $_scs_section_size  }
0x9a: {  	s4 =	simm.s32 $_size__tile_overlayer_lowered;
	s5 =	simm.s32 $_tile_overlayer_lowered  }
0x9b: {  	s6 =	simm.s32 $0x1BFF;
	s21 =	sshll.u32 s5, $0x1;
	s3 =	sadd.s32 s20, s19  }
0x9c: {  	s22 =	simm.s32 $0x0;
	s4 =	sshll.u32 s4, $0x1;
	s5 =	sadd.s32 s21, s3  }
0x9d: {  	[timem:s22], [sflag:s6] =	dma.local [hbm:s5], s4  }
0x9e: {  	_ =	swait.ge [sflag:s6], s4  }
0x9f: {  	s4 =	ssub.s32 $0x0, s4;
	[sflag:s6] =	ssyncset.done $0x0  }
0xa0: {  	[sflag:s6] =	ssyncadd.s32 s4;
	_ =	sdelay $0x1  }
0xa1: {  	s23 =	simm.s32 $0x1B8B  }
0xa2: {  	_ =	swait.ge [sflag:s23], $0x1  }
0xa3: {  	[sflag:s23] =	ssyncset.done $0x0  }
0xa4: {  	[sflag:s23] =	ssyncadd.s32 $0xFFFFFFFF  }
0xa5: {  	s4 =	sld [smem:$0x0]  }
0xa6: {  	s5 =	sand.u32 $0xFFFFFFFE, s1  }
0xa7: {  	p0 =	sne.s32 s1, s5  }
0xa8: {  	s5 =	sshll.u32 @p0 s5, $0xE  }
0xa9: {  	s5 =	sadd.s32 @p0 $0x11B8D, s5;
	s6 =	sshll.u32 @p0 s4, $0x11  }
0xaa: {  	s5 =	sor.u32 @p0 s6, s5  }
0xab: {  	[sflag:s5] =	ssyncadd.remote.s32 @p0 $0x1;
	_ =	sdelay $0x1  }
0xac: {  	s5 =	simm.s32 @p0 $0x1B8D  }
0xad: {  	_ =	swait.eq @p0 [sflag:s5], $0x1  }
0xae: {  	[sflag:s5] =	ssyncadd.s32 @p0 $0xFFFFFFFF  }
0xaf: {  	s6 =	sshll.u32 @!p0 s1, $0xE  }
0xb0: {  	s6 =	sor.u32 @!p0 $0x4000, s6;
	s5 =	simm.s32 @!p0 $0x1B8D  }
0xb1: {  	s4 =	sshll.u32 @!p0 s4, $0x11;
	s6 =	sadd.s32 @!p0 $0x11B8D, s6;
	_ =	swait.eq @!p0 [sflag:s5], $0x1  }
0xb2: {  	s4 =	sor.u32 @!p0 s4, s6;
	[sflag:s5] =	ssyncadd.s32 @!p0 $0xFFFFFFFF  }
0xb3: {  	s25 =	simm.s32 $0x1B8E;
	s24 =	sld [smem:$0x3FFE];
	[sflag:s4] =	ssyncadd.remote.s32 @!p0 $0x1  }
0xb4: {  	s26 =	simm.s32 $execute0_lowered;
	[smem:$0x3FD2] =	sst s25  }
0xb5: {  	s5 =	sshll.u32 s26, $0x1;
	_ =	strace $0x8000004C;
	[dreg:$0x1] =	wrdreg $0xFFFFFFFF  }
0xb6: {  	s28 =	simm.s32 $_size_execute0_lowered;
	s3 =	sadd.s32 s3, s5;
	[dreg:$0x0] =	wrdreg $0x0  }
0xb7: {  	s5 =	sshll.u32 s28, $0x1;
	[dreg:$0x2] =	wrdreg s3  }
0xb8: {  	[dreg:$0x3] =	wrdreg s5  }
0xb9: {  	[dreg:$0x4] =	wrdreg $0xC0  }
0xba: {  	_ =	task [dreg:s22], $0x5FFFF  }
0xbb: {  	[dreg:$0x1] =	wrdreg $0xFFFFFFFF  }
0xbc: {  	[dreg:$0x0] =	wrdreg $0x60  }
0xbd: {  	[dreg:$0x2] =	wrdreg s24  }
0xbe: {  	[dreg:$0x3] =	wrdreg $0x9  }
0xbf: {  	_ =	task.clear_ibuf [dreg:s22], $0x4FFFF;
	_ =	strace $0x9000004C  }
0xc0: {  	s29 =	simm.s32 $0x9;
	_ =	strace $0x8000004E  }
0xc1: {  	_ =	swait.ge [sflag:s29], $0x1  }
0xc2: {  	[sflag:s29] =	ssyncadd.s32 $0xFFFFFFFF  }
0xc3: {  	_ =	strace $0x9000004E  }
0xc4: {  	_ =	sfence  }
0xc5: {  	s30 =	sld [smem:$0x0];
	_ =	sdelay $0x2  }
0xc6: {  	s31 =	sshll.u32 s1, $0xD;
	s1 =	sshrl.u32 s1, $0x2  }
0xc7: {  	s4 =	sand.u32 $0x4000, s31;
	s1 =	sadd.s32 s1, s30  }
0xc8: {  	s0 =	sor.u32 s4, s0;
	s1 =	sshll.u32 s1, $0x11  }
0xc9: {  	s0 =	sor.u32 s1, s0  }
0xca: {  	s0 =	sadd.s32 $0x8F2B, s0  }
0xcb: {  	[sflag:s0] =	ssyncadd.remote.s32 $0x1  }
0xcc: {  	_ =	sfence.sel $0xFFFF  }
0xcd: {  	[dreg:$0x0] =	wrdreg $0xFFFFFFFF;
	(pc) =	sbr.abs _section_cstart, $3  }
0xce: {  	[dreg:$0x1] =	wrdreg $0xFFFFFFFF  }
0xcf: {  	_ =	task.clear_ibuf [dreg:s22], $0x2FFFF;
	_ =	strace $0x9FFFFFFF  }
0xd0: {  	(tm) =	ssettm $0x7FFFFFFF  }
0xd1: {  	_ =	shalt  }
tec
execute0_lowered:
.L_overlay_start_1:
0x0: {  	(tag) =	ssettag $0x1  }
0x1: {  	s4 =	rddreg [dreg:$0x0]  }
0x2: {  	s0 =	rddreg [dreg:$0x1];
	s2 =	simm.s32 $0x0;
	s3 =	srdreg.scid  }
0x3: {  	s1 =	stileid.u32;
	s10 =	simm.s32 $0xC00;
	s11 =	simm.s32 $0x4C00  }
0x4: {  	s12 =	simm.s32 $0x1;
	s13 =	simm.s32 $0x2;
	s14 =	simm.s32 $0x0  }
0x5: {  	[smem:$0x7FF] =	sst s2;
	s5 =	sand.u32 $0x1, s3;
	s6 =	sshll.u32 s1, $0x9  }
0x6: {  	s3 =	sadd.s32 $0x3400, s4;
	s8 =	sshll.u32 s1, $0x10;
	_ =	strace $0x8000004D  }
0x7: {  	s7 =	sshll.u32 s5, $0x8;
	s29 =	ssub.s32 $0x2, s5;
	s8 =	sadd.s32 s8, s4  }
0x8: {  	s30 =	sshll.u32 s5, $0xF;
	s6 =	sor.u32 s7, s6;
	s9 =	sshrl.u32 s29, $0x1  }
0x9: {  	s31 =	sadd.s32 s30, s8;
	s8 =	simm.s32 $0x800;
	s6 =	sadd.s32 s6, s4  }
0xa: {  	s7 =	ssub.s32 s29, s9;
	s9 =	simm.s32 $0x80;
	s4 =	sadd.s32 $0x23400, s6  }
0xb: {  	s5 =	smax.u32 s7, $0x1;
	s6 =	sadd.s32 $0x25400, s31;
	s7 =	simm.s32 $0x3  }
.LBB2_1:
0xc: {  	[tilespmem:s2], [sflag:$0x3] =	stream.linear.gather [hbm4b:s4+s2], $0x800, $0x38;
	[tilespmem:$0x8C00] =	vst v63  }
0xd: {  	_ =	swait.ge [sflag:s7], $0x800  }
0xe: {  	[sflag:s7] =	ssyncset.done $0x0  }
0xf: {  	[sflag:s7] =	ssyncadd.s32 $0xFFFFF800  }
0x10: {  	[tilespmem:s8], [sflag:$0x3] =	stream.linear.gather [hbm4b:s4+s2], $0x100, $0x38;
	[tilespmem:$0x8C00] =	vst v63  }
0x11: {  	_ =	swait.ge [sflag:s7], $0x100  }
0x12: {  	[sflag:s7] =	ssyncset.done $0x0  }
0x13: {  	[sflag:s7] =	ssyncadd.s32 $0xFFFFFF00  }
0x14: {  	[tilespmem:s10], [sflag:$0x1] =	stream.indirect.gather [hbm4b:s3+s9], $0x80, s2, s9, $0xb8;
	[tilespmem:$0x8C00] =	vst v63  }
0x15: {  	_ = 	snop  }
0x16: {  	[tilespmem:s11], [sflag:$0x2] =	stream.indirect.gather [hbm4b:s3+s9], $0x80, s9, s9, $0xb8;
	[tilespmem:$0x8C00] =	vst v63  }
0x17: {  	_ =	swait.ge [sflag:s12], $0x4000  }
0x18: {  	[sflag:s12] =	ssyncset.done $0x0  }
0x19: {  	s15 =	sadd.s32 $0x0, s6;
	[sflag:s12] =	ssyncadd.s32 $0xFFFFC000  }
0x1a: {  	[hbm4b:s15+s2] =	stream.linear.scatter [tilespmem:s10], [sflag:$0x3], $0x4000, $0x38;
	[tilespmem:$0x8C00] =	vst v63  }
0x1b: {  	_ =	swait.ge [sflag:s7], $0x4000  }
0x1c: {  	[sflag:s7] =	ssyncset.done $0x0  }
0x1d: {  	s16 =	simm.s32 $0x100;
	[sflag:s7] =	ssyncadd.s32 $0xFFFFC000  }
0x1e: {  	[tilespmem:s10], [sflag:$0x1] =	stream.indirect.gather [hbm4b:s3+s9], $0x80, s16, s9, $0xb8;
	[tilespmem:$0x8C00] =	vst v63  }
0x1f: {  	_ =	swait.ge [sflag:s13], $0x4000  }
0x20: {  	[sflag:s13] =	ssyncset.done $0x0  }
0x21: {  	s15 =	sadd.s32 $0x800, s15;
	[sflag:s13] =	ssyncadd.s32 $0xFFFFC000  }
0x22: {  	[hbm4b:s15+s2] =	stream.linear.scatter [tilespmem:s11], [sflag:$0x3], $0x4000, $0x38;
	[tilespmem:$0x8C00] =	vst v63  }
0x23: {  	_ =	swait.ge [sflag:s7], $0x4000  }
0x24: {  	s17 =	simm.s32 $0x280;
	[sflag:s7] =	ssyncset.done $0x0  }
0x25: {  	s16 =	simm.s32 $0x1000;
	s15 =	simm.s32 $0x180;
	[sflag:s7] =	ssyncadd.s32 $0xFFFFC000  }
.LBB2_2:
0x26: {  	[tilespmem:s11], [sflag:$0x2] =	stream.indirect.gather [hbm4b:s3+s9], $0x80, s15, s9, $0xb8;
	[tilespmem:$0x8C00] =	vst v63  }
0x27: {  	s18 =	smov.u32 s16;
	s15 =	smov.u32 s17  }
0x28: {  	p0 =	sne.s32 s16, $0x7000;
	s16 =	sadd.s32 $0x1000, s16;
	_ =	swait.ge [sflag:s12], $0x4000  }
0x29: {  	[sflag:s12] =	ssyncset.done $0x0  }
0x2a: {  	s18 =	sadd.s32 s18, s6;
	[sflag:s12] =	ssyncadd.s32 $0xFFFFC000  }
0x2b: {  	[hbm4b:s18+s2] =	stream.linear.scatter [tilespmem:s10], [sflag:$0x3], $0x4000, $0x38;
	[tilespmem:$0x8C00] =	vst v63  }
0x2c: {  	_ =	swait.ge [sflag:s7], $0x4000  }
0x2d: {  	[sflag:s7] =	ssyncset.done $0x0  }
0x2e: {  	s19 =	sadd.s32 $0xFFFFFF80, s17;
	[sflag:s7] =	ssyncadd.s32 $0xFFFFC000  }
0x2f: {  	[tilespmem:s10], [sflag:$0x1] =	stream.indirect.gather [hbm4b:s3+s9], $0x80, s19, s9, $0xb8;
	[tilespmem:$0x8C00] =	vst v63  }
0x30: {  	_ =	swait.ge [sflag:s13], $0x4000  }
0x31: {  	[sflag:s13] =	ssyncset.done $0x0  }
.Ltmp0:
0x32: {  	s18 =	sadd.s32 $0x800, s18;
	[sflag:s13] =	ssyncadd.s32 $0xFFFFC000;
	(pc) =	sbr.rel @p0 .LBB2_2-.Ltmp0, $4  }
0x33: {  	[hbm4b:s18+s2] =	stream.linear.scatter [tilespmem:s11], [sflag:$0x3], $0x4000, $0x38;
	[tilespmem:$0x8C00] =	vst v63  }
0x34: {  	_ =	swait.ge [sflag:s7], $0x4000  }
0x35: {  	[sflag:s7] =	ssyncset.done $0x0  }
0x36: {  	s17 =	sadd.s32 $0x100, s17;
	[sflag:s7] =	ssyncadd.s32 $0xFFFFC000  }
0x37: {  	[tilespmem:s11], [sflag:$0x2] =	stream.indirect.gather [hbm4b:s3+s9], $0x80, s15, s9, $0xb8;
	[tilespmem:$0x8C00] =	vst v63  }
0x38: {  	s14 =	sadd.s32 $0x1, s14  }
0x39: {  	_ =	swait.ge [sflag:s12], $0x4000;
	p0 =	sne.s32 s14, s5  }
.Ltmp1:
0x3a: {  	[sflag:s12] =	ssyncset.done $0x0;
	(pc) =	sbr.rel @p0 .LBB2_1-.Ltmp1, $4  }
0x3b: {  	[sflag:s12] =	ssyncadd.s32 $0xFFFFC000  }
0x3c: {  	_ =	swait.ge [sflag:s13], $0x4000  }
0x3d: {  	[sflag:s13] =	ssyncset.done $0x0  }
0x3e: {  	[sflag:s13] =	ssyncadd.s32 $0xFFFFC000  }
0x3f: {  	_ =	sfence.sel $0x180000  }
0x40: {  	[bflag:$0x0] =	sbarrier.arrive $0xFFFF  }
0x41: {  	p0 =	sne.s32 s1, $0x0;
	_ =	strace $0x9000004D  }
0x42: {  	s0 =	sadd.s32 @!p0 $0x100000, s0;
	[bflag:$0x2] =	sbarrier.arrive $0xFFFF  }
0x43: {  	[sflag:s0] =	ssyncadd.tile.s32 @!p0 $0x1;
	_ =	shalt  }
.Lfunc_end2:
_tile_overlayer_lowered:
.L_overlay_start_2:
0x44: {  	(tag) =	ssettag $0x2  }
0x45: {  	s0 =	rddreg [dreg:$0x0];
	s2 =	stileid.u32  }
0x46: {  	s1 =	rddreg [dreg:$0x1];
	p0 =	sne.s32 s2, $0x0  }
0x47: {  	s3 =	rddreg [dreg:$0x2];
	[bflag:$0x3] =	sbarrier.arrive $0xFFFF;
	s2 =	simm.s32 @!p0 $0x1C03  }
0x48: {  	[timem:s3], [sflag:s2] =	dma.local @!p0 [hbm:s0], s1  }
0x49: {  	s0 =	simm.s32 @!p0 $0x3  }
0x4a: {  	_ =	swait.ge @!p0 [sflag:s0], s1  }
0x4b: {  	s1 =	ssub.s32 @!p0 $0x0, s1;
	[sflag:s0] =	ssyncset.done @!p0 $0x0  }
0x4c: {  	[sflag:s0] =	ssyncadd.s32 @!p0 s1  }
0x4d: {  	[bflag:$0x3] =	sbarrier.arrive $0xFFFF  }
0x4e: {  	_ =	shalt  }

// kernel: kernel.18.cloned.1.call-start
scs
__scs_entry_jumppad:
0x0: {  	(pc) =	sbr.rel $0x88, $3  }
0x1: {  	(tag) =	ssettag $0x0;
	lr =	simm.s32 $0x1  }
0x2: {  	[smem:$0x3F97] =	sst lr;
	_ =	strace $0xD0000000  }
0x3: {  	_ = 	snop  }
0x4: {  	_ = 	snop  }
0x5: {  	_ = 	snop  }
0x6: {  	_ = 	snop  }
0x7: {  	_ = 	snop  }
__scs_overlays_trampoline_lowered:
0x8: {  	[smem:$0x3FA6] =	sst s0  }
0x9: {  	[smem:$0x3FA7] =	sst s1  }
0xa: {  	[smem:$0x3FA8] =	sst s2  }
0xb: {  	[smem:$0x3FA9] =	sst s3  }
0xc: {  	[smem:$0x3FAA] =	sst s4  }
0xd: {  	[smem:$0x3FAB] =	sst s5  }
0xe: {  	[smem:$0x3FAC] =	sst s6  }
0xf: {  	[smem:$0x3FAD] =	sst s7  }
0x10: {  	[smem:$0x3FAE] =	sst s8  }
0x11: {  	[smem:$0x3FAF] =	sst s9;
	s0 =	simm.s32 @!p0 $0x0  }
0x12: {  	s1 =	sld [smem:$0x3F95];
	s0 =	simm.s32 @p0 $0x1  }
0x13: {  	[smem:$0x3FB0] =	sst s0;
	s0 =	simm.s32 @!p1 $0x0  }
0x14: {  	s2 =	sld [smem:$0x3F94];
	s0 =	simm.s32 @p1 $0x1  }
0x15: {  	[smem:$0x3FB1] =	sst s0;
	s0 =	simm.s32 @!p2 $0x0  }
0x16: {  	s3 =	sld [smem:$0x3FDB];
	s0 =	simm.s32 @p2 $0x1  }
0x17: {  	s4 =	simm.s32 $0x1BF5;
	[smem:$0x3FB3] =	sst s0  }
0x18: {  	s0 =	sld [smem:$0x3F96];
	_ =	swait.ge [sflag:s4], $0x0  }
0x19: {  	s7 =	sld [smem:$0x3F97]  }
0x1a: {  	s8 =	sadd.s32 $0xFFFFE003, lr  }
0x1b: {  	s9 =	sadd.s32 $0xFFFFFEF7, lr;
	s5 =	simm.s32 $0xFFFFFFFF;
	p2 =	slt.u32 s8, $0xFFFFF086  }
0x1c: {  	p1 =	slt.u32 s9, $0xF7A;
	s5 =	simm.s32 @!p2 $0x0  }
0x1d: {  	s5 =	simm.s32 @p1 $0x1;
	p0 =	seq.s32 s7, s2  }
0x1e: {  	s7 =	smul.u32 @!p0 $0xF7A, s2;
	p2 =	seq.s32 @!p0 s5, $0x0  }
0x1f: {  	s9 =	smul.u32 $0xF7A, s1;
	s8 =	simm.s32 @!p0 $0x1BF5;
	p2 =	por !p2, p0  }
0x20: {  	[sflag:s8] =	ssyncset.s32 @!p0 $0xFFFFF086;
	s6 =	sadd.s32 @!p0 s3, s7;
	s7 =	simm.s32 @!p0 $0x108  }
0x21: {  	s3 =	sadd.s32 s3, s9;
	s6 =	sadd.s32 @!p0 $0x88, s6;
	s7 =	simm.s32 @p2 $0x1082  }
0x22: {  	[simem:s7], [sflag:s8] =	dma.local @!p0 [hbm:s6], $0xF7A  }
0x23: {  	s9 =	sor.u32 $0xD0000000, s2;
	s6 =	simm.s32 $0x108;
	_ =	swait.ge @!p0 [sflag:s8], $0x0  }
0x24: {  	s3 =	sadd.s32 $0x88, s3;
	s6 =	simm.s32 @!p1 $0x1082;
	[sflag:s4] =	ssyncset.s32 $0xFFFFF086  }
0x25: {  	[simem:s6], [sflag:s4] =	dma.local [hbm:s3], $0xF7A  }
0x26: {  	[smem:$0x3F97] =	sst s1;
	(tag) =	ssettag s2;
	_ =	strace s9  }
0x27: {  	s1 =	sld [smem:$0x3FA7]  }
0x28: {  	s2 =	sld [smem:$0x3FA8]  }
0x29: {  	s4 =	sld [smem:$0x3FAA]  }
0x2a: {  	p0 =	seq.s32 s5, $0x0;
	s5 =	sld [smem:$0x3FAB]  }
0x2b: {  	s6 =	sld [smem:$0x3FAC]  }
0x2c: {  	s7 =	sld [smem:$0x3FAD]  }
0x2d: {  	s3 =	simm.s32 $0x108;
	s8 =	sld [smem:$0x3FAE]  }
0x2e: {  	s3 =	simm.s32 @!p0 $0x1082;
	s9 =	sld [smem:$0x3FAF]  }
0x2f: {  	lr =	sadd.s32 s0, s3;
	s0 =	sld [smem:$0x3FA6]  }
0x30: {  	s3 =	sld [smem:$0x3FA9]  }
0x31: {  	[smem:$0x3FB2] =	sst s10  }
0x32: {  	s10 =	sld [smem:$0x3FB0];
	_ =	sdelay $0x3  }
0x33: {  	p0 =	seq.s32 s10, $0x1;
	s10 =	sld [smem:$0x3FB2];
	_ =	sdelay $0x3  }
0x34: {  	[smem:$0x3FB2] =	sst s10  }
0x35: {  	s10 =	sld [smem:$0x3FB1];
	_ =	sdelay $0x3  }
0x36: {  	p1 =	seq.s32 s10, $0x1;
	s10 =	sld [smem:$0x3FB2];
	_ =	sdelay $0x3  }
0x37: {  	[smem:$0x3FB2] =	sst s10  }
0x38: {  	s10 =	sld [smem:$0x3FB3]  }
0x39: {  	_ = 	snop;
	(pc) =	sbr.ind lr, $3  }
0x3a: {  	_ = 	snop  }
0x3b: {  	_ = 	snop  }
0x3c: {  	p2 =	seq.s32 s10, $0x1;
	s10 =	sld [smem:$0x3FB2]  }
0x3d: {  	_ =	shalt  }
0x3e: {  	_ =	shalt  }
0x3f: {  	_ =	shalt  }
0x40: {  	_ =	shalt  }
0x41: {  	_ =	shalt  }
0x42: {  	_ =	shalt  }
0x43: {  	_ =	shalt  }
0x44: {  	_ =	shalt  }
0x45: {  	_ =	shalt  }
0x46: {  	_ =	shalt  }
0x47: {  	_ =	shalt  }
0x48: {  	_ =	shalt  }
0x49: {  	_ =	shalt  }
0x4a: {  	_ =	shalt  }
0x4b: {  	_ =	shalt  }
0x4c: {  	_ =	shalt  }
0x4d: {  	_ =	shalt  }
0x4e: {  	_ =	shalt  }
0x4f: {  	_ =	shalt  }
0x50: {  	_ =	shalt  }
0x51: {  	_ =	shalt  }
0x52: {  	_ =	shalt  }
0x53: {  	_ =	shalt  }
0x54: {  	_ =	shalt  }
0x55: {  	_ =	shalt  }
0x56: {  	_ =	shalt  }
0x57: {  	_ =	shalt  }
0x58: {  	_ =	shalt  }
0x59: {  	_ =	shalt  }
0x5a: {  	_ =	shalt  }
0x5b: {  	_ =	shalt  }
0x5c: {  	_ =	shalt  }
0x5d: {  	_ =	shalt  }
0x5e: {  	_ =	shalt  }
0x5f: {  	_ =	shalt  }
0x60: {  	_ =	shalt  }
0x61: {  	_ =	shalt  }
0x62: {  	_ =	shalt  }
0x63: {  	_ =	shalt  }
0x64: {  	_ =	shalt  }
0x65: {  	_ =	shalt  }
0x66: {  	_ =	shalt  }
0x67: {  	_ =	shalt  }
0x68: {  	_ =	shalt  }
0x69: {  	_ =	shalt  }
0x6a: {  	_ =	shalt  }
0x6b: {  	_ =	shalt  }
0x6c: {  	_ =	shalt  }
0x6d: {  	_ =	shalt  }
0x6e: {  	_ =	shalt  }
0x6f: {  	_ =	shalt  }
0x70: {  	_ =	shalt  }
0x71: {  	_ =	shalt  }
0x72: {  	_ =	shalt  }
0x73: {  	_ =	shalt  }
0x74: {  	_ =	shalt  }
0x75: {  	_ =	shalt  }
0x76: {  	_ =	shalt  }
0x77: {  	_ =	shalt  }
0x78: {  	_ =	shalt  }
0x79: {  	_ =	shalt  }
0x7a: {  	_ =	shalt  }
0x7b: {  	_ =	shalt  }
0x7c: {  	_ =	shalt  }
0x7d: {  	_ =	shalt  }
0x7e: {  	_ =	shalt  }
0x7f: {  	_ =	shalt  }
0x80: {  	_ =	shalt  }
0x81: {  	_ =	shalt  }
0x82: {  	_ =	shalt  }
0x83: {  	_ =	shalt  }
0x84: {  	_ =	shalt  }
0x85: {  	_ =	shalt  }
0x86: {  	_ =	shalt  }
0x87: {  	_ =	shalt  }
.Lfunc_end0:
.L_simem_size_0:
called_computation.2_lowered:
.L_overlay_start_0:
0x88: {  	s2 =	sld [smem:$0x3FD9]  }
0x89: {  	s3 =	sld [smem:$0x3FFE];
	_ =	sdelay $0x1  }
0x8a: {  	s1 =	srdreg.scid  }
0x8b: {  	s0 =	sand.u32 $0x1, s1  }
0x8c: {  	s17 =	sshll.u32 s0, $0xA;
	s2 =	sadd.s32 s3, s2  }
0x8d: {  	s2 =	sadd.s32 s2, s17  }
0x8e: {  	[smem:$0x3FBE] =	sst s2  }
0x8f: {  	_ = 	snop  }
0x90: {  	s18 =	sld [smem:$0x3FD0];
	(tm) =	ssettm $0x1  }
0x91: {  	s19 =	sld [smem:$0x3FFB];
	_ =	sdelay $0x3  }
0x92: {  	_ =	strace s19  }
0x93: {  	s2 =	sld [smem:$0x3FFC];
	_ =	sdelay $0x3  }
0x94: {  	_ =	strace s2  }
0x95: {  	s2 =	sld [smem:$0x3FFD];
	_ =	sdelay $0x3  }
0x96: {  	_ =	strace s2  }
0x97: {  	_ =	strace $0x8FFFFFFF  }
0x98: {  	s20 =	sld [smem:$0x3FDB];
	_ =	sdelay $0x1  }
0x99: {  	s4 =	simm.s32 $_scs_section_size  }
0x9a: {  	s5 =	simm.s32 $_size__tile_overlayer_lowered;
	s6 =	simm.s32 $_tile_overlayer_lowered  }
0x9b: {  	s7 =	simm.s32 $0x1BFF;
	s21 =	sshll.u32 s6, $0x1;
	s4 =	sadd.s32 s4, s20  }
0x9c: {  	s22 =	simm.s32 $0x0;
	s5 =	sshll.u32 s5, $0x1;
	s6 =	sadd.s32 s21, s4  }
0x9d: {  	[timem:s22], [sflag:s7] =	dma.local [hbm:s6], s5  }
0x9e: {  	_ =	swait.ge [sflag:s7], s5  }
0x9f: {  	s5 =	ssub.s32 $0x0, s5;
	[sflag:s7] =	ssyncset.done $0x0  }
0xa0: {  	[sflag:s7] =	ssyncadd.s32 s5;
	_ =	sdelay $0x1  }
0xa1: {  	s23 =	simm.s32 $0x1B8B  }
0xa2: {  	_ =	swait.ge [sflag:s23], $0x1  }
0xa3: {  	[sflag:s23] =	ssyncset.done $0x0  }
0xa4: {  	[sflag:s23] =	ssyncadd.s32 $0xFFFFFFFF  }
0xa5: {  	s5 =	sld [smem:$0x0]  }
0xa6: {  	s6 =	sand.u32 $0xFFFFFFFE, s1  }
0xa7: {  	p0 =	sne.s32 s1, s6  }
0xa8: {  	s6 =	sshll.u32 @p0 s6, $0xE  }
0xa9: {  	s6 =	sadd.s32 @p0 $0x11B8D, s6;
	s7 =	sshll.u32 @p0 s5, $0x11  }
0xaa: {  	s6 =	sor.u32 @p0 s7, s6  }
0xab: {  	[sflag:s6] =	ssyncadd.remote.s32 @p0 $0x1;
	_ =	sdelay $0x1  }
0xac: {  	s6 =	simm.s32 @p0 $0x1B8D  }
0xad: {  	_ =	swait.eq @p0 [sflag:s6], $0x1  }
0xae: {  	[sflag:s6] =	ssyncadd.s32 @p0 $0xFFFFFFFF  }
0xaf: {  	s7 =	sshll.u32 @!p0 s1, $0xE  }
0xb0: {  	s7 =	sor.u32 @!p0 $0x4000, s7;
	s6 =	simm.s32 @!p0 $0x1B8D  }
0xb1: {  	s5 =	sshll.u32 @!p0 s5, $0x11;
	s7 =	sadd.s32 @!p0 $0x11B8D, s7;
	_ =	swait.eq @!p0 [sflag:s6], $0x1  }
0xb2: {  	s5 =	sor.u32 @!p0 s5, s7;
	[sflag:s6] =	ssyncadd.s32 @!p0 $0xFFFFFFFF  }
0xb3: {  	s25 =	simm.s32 $0x1B8E;
	s24 =	sld [smem:$0x3FFE];
	[sflag:s5] =	ssyncadd.remote.s32 @!p0 $0x1  }
0xb4: {  	s26 =	simm.s32 $execute0_lowered;
	[smem:$0x3FD2] =	sst s25  }
0xb5: {  	s6 =	sshll.u32 s26, $0x1;
	_ =	strace $0x80000049;
	[dreg:$0x1] =	wrdreg $0xFFFFFFFF  }
0xb6: {  	s28 =	simm.s32 $_size_execute0_lowered;
	s4 =	sadd.s32 s4, s6;
	[dreg:$0x0] =	wrdreg $0x0  }
0xb7: {  	s6 =	sshll.u32 s28, $0x1;
	[dreg:$0x2] =	wrdreg s4  }
0xb8: {  	[dreg:$0x3] =	wrdreg s6  }
0xb9: {  	[dreg:$0x4] =	wrdreg $0xC0  }
0xba: {  	_ =	task [dreg:s22], $0x5FFFF  }
0xbb: {  	[dreg:$0x1] =	wrdreg $0xFFFFFFFF  }
0xbc: {  	[dreg:$0x0] =	wrdreg $0x60  }
0xbd: {  	[dreg:$0x2] =	wrdreg s18  }
0xbe: {  	[dreg:$0x3] =	wrdreg s24  }
0xbf: {  	[dreg:$0x4] =	wrdreg $0xA  }
0xc0: {  	_ =	task.clear_ibuf [dreg:s22], $0x5FFFF;
	_ =	strace $0x90000049  }
0xc1: {  	s29 =	simm.s32 $0xA;
	_ =	strace $0x8000004B  }
0xc2: {  	_ =	swait.ge [sflag:s29], $0x1  }
0xc3: {  	[sflag:s29] =	ssyncadd.s32 $0xFFFFFFFF  }
0xc4: {  	_ =	strace $0x9000004B  }
0xc5: {  	_ =	sfence  }
0xc6: {  	s30 =	sld [smem:$0x0];
	_ =	sdelay $0x2  }
0xc7: {  	s31 =	sshll.u32 s1, $0xD;
	s1 =	sshrl.u32 s1, $0x2  }
0xc8: {  	s4 =	sand.u32 $0x4000, s31;
	s1 =	sadd.s32 s1, s30  }
0xc9: {  	s0 =	sor.u32 s4, s0;
	s1 =	sshll.u32 s1, $0x11  }
0xca: {  	s0 =	sor.u32 s1, s0  }
0xcb: {  	s0 =	sadd.s32 $0x8F2B, s0  }
0xcc: {  	[sflag:s0] =	ssyncadd.remote.s32 $0x1  }
0xcd: {  	_ =	sfence.sel $0xFFFF  }
0xce: {  	[dreg:$0x0] =	wrdreg $0xFFFFFFFF;
	(pc) =	sbr.abs _section_cstart, $3  }
0xcf: {  	[dreg:$0x1] =	wrdreg $0xFFFFFFFF  }
0xd0: {  	_ =	task.clear_ibuf [dreg:s22], $0x2FFFF;
	_ =	strace $0x9FFFFFFF  }
0xd1: {  	(tm) =	ssettm $0x7FFFFFFF  }
tec
execute0_lowered:
.L_overlay_start_1:
0x0: {  	(tag) =	ssettag $0x1  }
0x1: {  	s1 =	rddreg [dreg:$0x0]  }
0x2: {  	s4 =	rddreg [dreg:$0x1]  }
0x3: {  	s0 =	rddreg [dreg:$0x2];
	s5 =	srdreg.scid  }
0x4: {  	s3 =	simm.s32 $0x0;
	s2 =	stileid.u32;
	s10 =	simm.s32 $0xC00  }
0x5: {  	s11 =	simm.s32 $0x4C00;
	s12 =	simm.s32 $0x1;
	s13 =	simm.s32 $0x2  }
0x6: {  	s14 =	simm.s32 $0x0;
	s5 =	sand.u32 $0x1, s5;
	[smem:$0x7FF] =	sst s3  }
0x7: {  	s6 =	sshll.u32 s2, $0x9;
	s8 =	sshll.u32 s2, $0x10;
	s7 =	sshll.u32 s5, $0x8  }
0x8: {  	_ =	strace $0x8000004A;
	s29 =	ssub.s32 $0x2, s5;
	s8 =	sadd.s32 s8, s4  }
0x9: {  	s30 =	sshll.u32 s5, $0xF;
	s6 =	sor.u32 s7, s6;
	s9 =	sshrl.u32 s29, $0x1  }
0xa: {  	s31 =	sadd.s32 s30, s8;
	s8 =	simm.s32 $0x800;
	s6 =	sadd.s32 s6, s4  }
0xb: {  	s7 =	ssub.s32 s29, s9;
	s9 =	simm.s32 $0x80;
	s4 =	sadd.s32 $0x125400, s6  }
0xc: {  	s5 =	smax.u32 s7, $0x1;
	s6 =	sadd.s32 $0x127400, s31;
	s7 =	simm.s32 $0x3  }
.LBB2_1:
0xd: {  	[tilespmem:s3], [sflag:$0x3] =	stream.linear.gather [hbm4b:s4+s3], $0x800, $0x38;
	[tilespmem:$0x8C00] =	vst v63  }
0xe: {  	_ =	swait.ge [sflag:s7], $0x800  }
0xf: {  	[sflag:s7] =	ssyncset.done $0x0  }
0x10: {  	[sflag:s7] =	ssyncadd.s32 $0xFFFFF800  }
0x11: {  	[tilespmem:s8], [sflag:$0x3] =	stream.linear.gather [hbm4b:s4+s3], $0x100, $0x38;
	[tilespmem:$0x8C00] =	vst v63  }
0x12: {  	_ =	swait.ge [sflag:s7], $0x100  }
0x13: {  	[sflag:s7] =	ssyncset.done $0x0  }
0x14: {  	[sflag:s7] =	ssyncadd.s32 $0xFFFFFF00  }
0x15: {  	[tilespmem:s10], [sflag:$0x1] =	stream.indirect.gather [hbm4b:s1+s9], $0x80, s3, s9, $0xb8;
	[tilespmem:$0x8C00] =	vst v63  }
0x16: {  	_ = 	snop  }
0x17: {  	[tilespmem:s11], [sflag:$0x2] =	stream.indirect.gather [hbm4b:s1+s9], $0x80, s9, s9, $0xb8;
	[tilespmem:$0x8C00] =	vst v63  }
0x18: {  	_ =	swait.ge [sflag:s12], $0x4000  }
0x19: {  	[sflag:s12] =	ssyncset.done $0x0  }
0x1a: {  	s15 =	sadd.s32 $0x0, s6;
	[sflag:s12] =	ssyncadd.s32 $0xFFFFC000  }
0x1b: {  	[hbm4b:s15+s3] =	stream.linear.scatter [tilespmem:s10], [sflag:$0x3], $0x4000, $0x38;
	[tilespmem:$0x8C00] =	vst v63  }
0x1c: {  	_ =	swait.ge [sflag:s7], $0x4000  }
0x1d: {  	[sflag:s7] =	ssyncset.done $0x0  }
0x1e: {  	s16 =	simm.s32 $0x100;
	[sflag:s7] =	ssyncadd.s32 $0xFFFFC000  }
0x1f: {  	[tilespmem:s10], [sflag:$0x1] =	stream.indirect.gather [hbm4b:s1+s9], $0x80, s16, s9, $0xb8;
	[tilespmem:$0x8C00] =	vst v63  }
0x20: {  	_ =	swait.ge [sflag:s13], $0x4000  }
0x21: {  	[sflag:s13] =	ssyncset.done $0x0  }
0x22: {  	s15 =	sadd.s32 $0x800, s15;
	[sflag:s13] =	ssyncadd.s32 $0xFFFFC000  }
0x23: {  	[hbm4b:s15+s3] =	stream.linear.scatter [tilespmem:s11], [sflag:$0x3], $0x4000, $0x38;
	[tilespmem:$0x8C00] =	vst v63  }
0x24: {  	_ =	swait.ge [sflag:s7], $0x4000  }
0x25: {  	s17 =	simm.s32 $0x280;
	[sflag:s7] =	ssyncset.done $0x0  }
0x26: {  	s16 =	simm.s32 $0x1000;
	s15 =	simm.s32 $0x180;
	[sflag:s7] =	ssyncadd.s32 $0xFFFFC000  }
.LBB2_2:
0x27: {  	[tilespmem:s11], [sflag:$0x2] =	stream.indirect.gather [hbm4b:s1+s9], $0x80, s15, s9, $0xb8;
	[tilespmem:$0x8C00] =	vst v63  }
0x28: {  	s18 =	smov.u32 s16;
	s15 =	smov.u32 s17  }
0x29: {  	p0 =	sne.s32 s16, $0x7000;
	s16 =	sadd.s32 $0x1000, s16;
	_ =	swait.ge [sflag:s12], $0x4000  }
0x2a: {  	[sflag:s12] =	ssyncset.done $0x0  }
0x2b: {  	s18 =	sadd.s32 s18, s6;
	[sflag:s12] =	ssyncadd.s32 $0xFFFFC000  }
0x2c: {  	[hbm4b:s18+s3] =	stream.linear.scatter [tilespmem:s10], [sflag:$0x3], $0x4000, $0x38;
	[tilespmem:$0x8C00] =	vst v63  }
0x2d: {  	_ =	swait.ge [sflag:s7], $0x4000  }
0x2e: {  	[sflag:s7] =	ssyncset.done $0x0  }
0x2f: {  	s19 =	sadd.s32 $0xFFFFFF80, s17;
	[sflag:s7] =	ssyncadd.s32 $0xFFFFC000  }
0x30: {  	[tilespmem:s10], [sflag:$0x1] =	stream.indirect.gather [hbm4b:s1+s9], $0x80, s19, s9, $0xb8;
	[tilespmem:$0x8C00] =	vst v63  }
0x31: {  	_ =	swait.ge [sflag:s13], $0x4000  }
0x32: {  	[sflag:s13] =	ssyncset.done $0x0  }
.Ltmp0:
0x33: {  	s18 =	sadd.s32 $0x800, s18;
	[sflag:s13] =	ssyncadd.s32 $0xFFFFC000;
	(pc) =	sbr.rel @p0 .LBB2_2-.Ltmp0, $4  }
0x34: {  	[hbm4b:s18+s3] =	stream.linear.scatter [tilespmem:s11], [sflag:$0x3], $0x4000, $0x38;
	[tilespmem:$0x8C00] =	vst v63  }
0x35: {  	_ =	swait.ge [sflag:s7], $0x4000  }
0x36: {  	[sflag:s7] =	ssyncset.done $0x0  }
0x37: {  	s17 =	sadd.s32 $0x100, s17;
	[sflag:s7] =	ssyncadd.s32 $0xFFFFC000  }
0x38: {  	[tilespmem:s11], [sflag:$0x2] =	stream.indirect.gather [hbm4b:s1+s9], $0x80, s15, s9, $0xb8;
	[tilespmem:$0x8C00] =	vst v63  }
0x39: {  	s14 =	sadd.s32 $0x1, s14  }
0x3a: {  	_ =	swait.ge [sflag:s12], $0x4000;
	p0 =	sne.s32 s14, s5  }
.Ltmp1:
0x3b: {  	[sflag:s12] =	ssyncset.done $0x0;
	(pc) =	sbr.rel @p0 .LBB2_1-.Ltmp1, $4  }
0x3c: {  	[sflag:s12] =	ssyncadd.s32 $0xFFFFC000  }
0x3d: {  	_ =	swait.ge [sflag:s13], $0x4000  }
0x3e: {  	[sflag:s13] =	ssyncset.done $0x0  }
0x3f: {  	[sflag:s13] =	ssyncadd.s32 $0xFFFFC000  }
0x40: {  	_ =	sfence.sel $0x180000  }
0x41: {  	[bflag:$0x0] =	sbarrier.arrive $0xFFFF  }
0x42: {  	p0 =	sne.s32 s2, $0x0;
	_ =	strace $0x9000004A  }
0x43: {  	s0 =	sadd.s32 @!p0 $0x100000, s0;
	[bflag:$0x2] =	sbarrier.arrive $0xFFFF  }
0x44: {  	[sflag:s0] =	ssyncadd.tile.s32 @!p0 $0x1;
	_ =	shalt  }
.Lfunc_end2:
_tile_overlayer_lowered:
.L_overlay_start_2:
0x45: {  	(tag) =	ssettag $0x2  }
0x46: {  	s0 =	rddreg [dreg:$0x0];
	s2 =	stileid.u32  }
0x47: {  	s1 =	rddreg [dreg:$0x1];
	p0 =	sne.s32 s2, $0x0  }
0x48: {  	s3 =	rddreg [dreg:$0x2];
	[bflag:$0x3] =	sbarrier.arrive $0xFFFF;
	s2 =	simm.s32 @!p0 $0x1C03  }
0x49: {  	[timem:s3], [sflag:s2] =	dma.local @!p0 [hbm:s0], s1  }
0x4a: {  	s0 =	simm.s32 @!p0 $0x3  }
0x4b: {  	_ =	swait.ge @!p0 [sflag:s0], s1  }
0x4c: {  	s1 =	ssub.s32 @!p0 $0x0, s1;
	[sflag:s0] =	ssyncset.done @!p0 $0x0  }
0x4d: {  	[sflag:s0] =	ssyncadd.s32 @!p0 s1  }
0x4e: {  	[bflag:$0x3] =	sbarrier.arrive $0xFFFF  }
0x4f: {  	_ =	shalt  }

// kernel: kernel.21.cloned.1.call-start
scs
__scs_entry_jumppad:
0x0: {  	(pc) =	sbr.rel $0x88, $3  }
0x1: {  	(tag) =	ssettag $0x0;
	lr =	simm.s32 $0x1  }
0x2: {  	[smem:$0x3F97] =	sst lr;
	_ =	strace $0xD0000000  }
0x3: {  	_ = 	snop  }
0x4: {  	_ = 	snop  }
0x5: {  	_ = 	snop  }
0x6: {  	_ = 	snop  }
0x7: {  	_ = 	snop  }
__scs_overlays_trampoline_lowered:
0x8: {  	[smem:$0x3FA6] =	sst s0  }
0x9: {  	[smem:$0x3FA7] =	sst s1  }
0xa: {  	[smem:$0x3FA8] =	sst s2  }
0xb: {  	[smem:$0x3FA9] =	sst s3  }
0xc: {  	[smem:$0x3FAA] =	sst s4  }
0xd: {  	[smem:$0x3FAB] =	sst s5  }
0xe: {  	[smem:$0x3FAC] =	sst s6  }
0xf: {  	[smem:$0x3FAD] =	sst s7  }
0x10: {  	[smem:$0x3FAE] =	sst s8  }
0x11: {  	[smem:$0x3FAF] =	sst s9;
	s0 =	simm.s32 @!p0 $0x0  }
0x12: {  	s1 =	sld [smem:$0x3F95];
	s0 =	simm.s32 @p0 $0x1  }
0x13: {  	[smem:$0x3FB0] =	sst s0;
	s0 =	simm.s32 @!p1 $0x0  }
0x14: {  	s2 =	sld [smem:$0x3F94];
	s0 =	simm.s32 @p1 $0x1  }
0x15: {  	[smem:$0x3FB1] =	sst s0;
	s0 =	simm.s32 @!p2 $0x0  }
0x16: {  	s3 =	sld [smem:$0x3FDB];
	s0 =	simm.s32 @p2 $0x1  }
0x17: {  	s4 =	simm.s32 $0x1BF5;
	[smem:$0x3FB3] =	sst s0  }
0x18: {  	s0 =	sld [smem:$0x3F96];
	_ =	swait.ge [sflag:s4], $0x0  }
0x19: {  	s7 =	sld [smem:$0x3F97]  }
0x1a: {  	s8 =	sadd.s32 $0xFFFFE003, lr  }
0x1b: {  	s9 =	sadd.s32 $0xFFFFFEF7, lr;
	s5 =	simm.s32 $0xFFFFFFFF;
	p2 =	slt.u32 s8, $0xFFFFF086  }
0x1c: {  	p1 =	slt.u32 s9, $0xF7A;
	s5 =	simm.s32 @!p2 $0x0  }
0x1d: {  	s5 =	simm.s32 @p1 $0x1;
	p0 =	seq.s32 s7, s2  }
0x1e: {  	s7 =	smul.u32 @!p0 $0xF7A, s2;
	p2 =	seq.s32 @!p0 s5, $0x0  }
0x1f: {  	s9 =	smul.u32 $0xF7A, s1;
	s8 =	simm.s32 @!p0 $0x1BF5;
	p2 =	por !p2, p0  }
0x20: {  	[sflag:s8] =	ssyncset.s32 @!p0 $0xFFFFF086;
	s6 =	sadd.s32 @!p0 s3, s7;
	s7 =	simm.s32 @!p0 $0x108  }
0x21: {  	s3 =	sadd.s32 s3, s9;
	s6 =	sadd.s32 @!p0 $0x88, s6;
	s7 =	simm.s32 @p2 $0x1082  }
0x22: {  	[simem:s7], [sflag:s8] =	dma.local @!p0 [hbm:s6], $0xF7A  }
0x23: {  	s9 =	sor.u32 $0xD0000000, s2;
	s6 =	simm.s32 $0x108;
	_ =	swait.ge @!p0 [sflag:s8], $0x0  }
0x24: {  	s3 =	sadd.s32 $0x88, s3;
	s6 =	simm.s32 @!p1 $0x1082;
	[sflag:s4] =	ssyncset.s32 $0xFFFFF086  }
0x25: {  	[simem:s6], [sflag:s4] =	dma.local [hbm:s3], $0xF7A  }
0x26: {  	[smem:$0x3F97] =	sst s1;
	(tag) =	ssettag s2;
	_ =	strace s9  }
0x27: {  	s1 =	sld [smem:$0x3FA7]  }
0x28: {  	s2 =	sld [smem:$0x3FA8]  }
0x29: {  	s4 =	sld [smem:$0x3FAA]  }
0x2a: {  	p0 =	seq.s32 s5, $0x0;
	s5 =	sld [smem:$0x3FAB]  }
0x2b: {  	s6 =	sld [smem:$0x3FAC]  }
0x2c: {  	s7 =	sld [smem:$0x3FAD]  }
0x2d: {  	s3 =	simm.s32 $0x108;
	s8 =	sld [smem:$0x3FAE]  }
0x2e: {  	s3 =	simm.s32 @!p0 $0x1082;
	s9 =	sld [smem:$0x3FAF]  }
0x2f: {  	lr =	sadd.s32 s0, s3;
	s0 =	sld [smem:$0x3FA6]  }
0x30: {  	s3 =	sld [smem:$0x3FA9]  }
0x31: {  	[smem:$0x3FB2] =	sst s10  }
0x32: {  	s10 =	sld [smem:$0x3FB0];
	_ =	sdelay $0x3  }
0x33: {  	p0 =	seq.s32 s10, $0x1;
	s10 =	sld [smem:$0x3FB2];
	_ =	sdelay $0x3  }
0x34: {  	[smem:$0x3FB2] =	sst s10  }
0x35: {  	s10 =	sld [smem:$0x3FB1];
	_ =	sdelay $0x3  }
0x36: {  	p1 =	seq.s32 s10, $0x1;
	s10 =	sld [smem:$0x3FB2];
	_ =	sdelay $0x3  }
0x37: {  	[smem:$0x3FB2] =	sst s10  }
0x38: {  	s10 =	sld [smem:$0x3FB3]  }
0x39: {  	_ = 	snop;
	(pc) =	sbr.ind lr, $3  }
0x3a: {  	_ = 	snop  }
0x3b: {  	_ = 	snop  }
0x3c: {  	p2 =	seq.s32 s10, $0x1;
	s10 =	sld [smem:$0x3FB2]  }
0x3d: {  	_ =	shalt  }
0x3e: {  	_ =	shalt  }
0x3f: {  	_ =	shalt  }
0x40: {  	_ =	shalt  }
0x41: {  	_ =	shalt  }
0x42: {  	_ =	shalt  }
0x43: {  	_ =	shalt  }
0x44: {  	_ =	shalt  }
0x45: {  	_ =	shalt  }
0x46: {  	_ =	shalt  }
0x47: {  	_ =	shalt  }
0x48: {  	_ =	shalt  }
0x49: {  	_ =	shalt  }
0x4a: {  	_ =	shalt  }
0x4b: {  	_ =	shalt  }
0x4c: {  	_ =	shalt  }
0x4d: {  	_ =	shalt  }
0x4e: {  	_ =	shalt  }
0x4f: {  	_ =	shalt  }
0x50: {  	_ =	shalt  }
0x51: {  	_ =	shalt  }
0x52: {  	_ =	shalt  }
0x53: {  	_ =	shalt  }
0x54: {  	_ =	shalt  }
0x55: {  	_ =	shalt  }
0x56: {  	_ =	shalt  }
0x57: {  	_ =	shalt  }
0x58: {  	_ =	shalt  }
0x59: {  	_ =	shalt  }
0x5a: {  	_ =	shalt  }
0x5b: {  	_ =	shalt  }
0x5c: {  	_ =	shalt  }
0x5d: {  	_ =	shalt  }
0x5e: {  	_ =	shalt  }
0x5f: {  	_ =	shalt  }
0x60: {  	_ =	shalt  }
0x61: {  	_ =	shalt  }
0x62: {  	_ =	shalt  }
0x63: {  	_ =	shalt  }
0x64: {  	_ =	shalt  }
0x65: {  	_ =	shalt  }
0x66: {  	_ =	shalt  }
0x67: {  	_ =	shalt  }
0x68: {  	_ =	shalt  }
0x69: {  	_ =	shalt  }
0x6a: {  	_ =	shalt  }
0x6b: {  	_ =	shalt  }
0x6c: {  	_ =	shalt  }
0x6d: {  	_ =	shalt  }
0x6e: {  	_ =	shalt  }
0x6f: {  	_ =	shalt  }
0x70: {  	_ =	shalt  }
0x71: {  	_ =	shalt  }
0x72: {  	_ =	shalt  }
0x73: {  	_ =	shalt  }
0x74: {  	_ =	shalt  }
0x75: {  	_ =	shalt  }
0x76: {  	_ =	shalt  }
0x77: {  	_ =	shalt  }
0x78: {  	_ =	shalt  }
0x79: {  	_ =	shalt  }
0x7a: {  	_ =	shalt  }
0x7b: {  	_ =	shalt  }
0x7c: {  	_ =	shalt  }
0x7d: {  	_ =	shalt  }
0x7e: {  	_ =	shalt  }
0x7f: {  	_ =	shalt  }
0x80: {  	_ =	shalt  }
0x81: {  	_ =	shalt  }
0x82: {  	_ =	shalt  }
0x83: {  	_ =	shalt  }
0x84: {  	_ =	shalt  }
0x85: {  	_ =	shalt  }
0x86: {  	_ =	shalt  }
0x87: {  	_ =	shalt  }
.Lfunc_end0:
.L_simem_size_0:
called_computation.3_lowered:
.L_overlay_start_0:
0x88: {  	s2 =	sld [smem:$0x3FD9]  }
0x89: {  	s3 =	sld [smem:$0x3FFE];
	_ =	sdelay $0x1  }
0x8a: {  	s1 =	srdreg.scid  }
0x8b: {  	s0 =	sand.u32 $0x1, s1  }
0x8c: {  	s17 =	sshll.u32 s0, $0xA;
	s2 =	sadd.s32 s3, s2  }
0x8d: {  	s2 =	sadd.s32 s2, s17  }
0x8e: {  	[smem:$0x3FBE] =	sst s2  }
0x8f: {  	_ = 	snop  }
0x90: {  	s18 =	sld [smem:$0x3FD0];
	(tm) =	ssettm $0x1  }
0x91: {  	s19 =	sld [smem:$0x3FFB];
	_ =	sdelay $0x3  }
0x92: {  	_ =	strace s19  }
0x93: {  	s2 =	sld [smem:$0x3FFC];
	_ =	sdelay $0x3  }
0x94: {  	_ =	strace s2  }
0x95: {  	s2 =	sld [smem:$0x3FFD];
	_ =	sdelay $0x3  }
0x96: {  	_ =	strace s2  }
0x97: {  	_ =	strace $0x8FFFFFFF  }
0x98: {  	s20 =	sld [smem:$0x3FDB];
	_ =	sdelay $0x1  }
0x99: {  	s4 =	simm.s32 $_scs_section_size  }
0x9a: {  	s5 =	simm.s32 $_size__tile_overlayer_lowered;
	s6 =	simm.s32 $_tile_overlayer_lowered  }
0x9b: {  	s7 =	simm.s32 $0x1BFF;
	s21 =	sshll.u32 s6, $0x1;
	s4 =	sadd.s32 s4, s20  }
0x9c: {  	s22 =	simm.s32 $0x0;
	s5 =	sshll.u32 s5, $0x1;
	s6 =	sadd.s32 s21, s4  }
0x9d: {  	[timem:s22], [sflag:s7] =	dma.local [hbm:s6], s5  }
0x9e: {  	_ =	swait.ge [sflag:s7], s5  }
0x9f: {  	s5 =	ssub.s32 $0x0, s5;
	[sflag:s7] =	ssyncset.done $0x0  }
0xa0: {  	[sflag:s7] =	ssyncadd.s32 s5;
	_ =	sdelay $0x1  }
0xa1: {  	s23 =	simm.s32 $0x1B8B  }
0xa2: {  	_ =	swait.ge [sflag:s23], $0x1  }
0xa3: {  	[sflag:s23] =	ssyncset.done $0x0  }
0xa4: {  	[sflag:s23] =	ssyncadd.s32 $0xFFFFFFFF  }
0xa5: {  	s5 =	sld [smem:$0x0]  }
0xa6: {  	s6 =	sand.u32 $0xFFFFFFFE, s1  }
0xa7: {  	p0 =	sne.s32 s1, s6  }
0xa8: {  	s6 =	sshll.u32 @p0 s6, $0xE  }
0xa9: {  	s6 =	sadd.s32 @p0 $0x11B8D, s6;
	s7 =	sshll.u32 @p0 s5, $0x11  }
0xaa: {  	s6 =	sor.u32 @p0 s7, s6  }
0xab: {  	[sflag:s6] =	ssyncadd.remote.s32 @p0 $0x1;
	_ =	sdelay $0x1  }
0xac: {  	s6 =	simm.s32 @p0 $0x1B8D  }
0xad: {  	_ =	swait.eq @p0 [sflag:s6], $0x1  }
0xae: {  	[sflag:s6] =	ssyncadd.s32 @p0 $0xFFFFFFFF  }
0xaf: {  	s7 =	sshll.u32 @!p0 s1, $0xE  }
0xb0: {  	s7 =	sor.u32 @!p0 $0x4000, s7;
	s6 =	simm.s32 @!p0 $0x1B8D  }
0xb1: {  	s5 =	sshll.u32 @!p0 s5, $0x11;
	s7 =	sadd.s32 @!p0 $0x11B8D, s7;
	_ =	swait.eq @!p0 [sflag:s6], $0x1  }
0xb2: {  	s5 =	sor.u32 @!p0 s5, s7;
	[sflag:s6] =	ssyncadd.s32 @!p0 $0xFFFFFFFF  }
0xb3: {  	s25 =	simm.s32 $0x1B8E;
	s24 =	sld [smem:$0x3FFE];
	[sflag:s5] =	ssyncadd.remote.s32 @!p0 $0x1  }
0xb4: {  	s26 =	simm.s32 $execute0_lowered;
	[smem:$0x3FD2] =	sst s25  }
0xb5: {  	s6 =	sshll.u32 s26, $0x1;
	_ =	strace $0x8000004F;
	[dreg:$0x1] =	wrdreg $0xFFFFFFFF  }
0xb6: {  	s28 =	simm.s32 $_size_execute0_lowered;
	s4 =	sadd.s32 s4, s6;
	[dreg:$0x0] =	wrdreg $0x0  }
0xb7: {  	s6 =	sshll.u32 s28, $0x1;
	[dreg:$0x2] =	wrdreg s4  }
0xb8: {  	[dreg:$0x3] =	wrdreg s6  }
0xb9: {  	[dreg:$0x4] =	wrdreg $0xC0  }
0xba: {  	_ =	task [dreg:s22], $0x5FFFF  }
0xbb: {  	[dreg:$0x1] =	wrdreg $0xFFFFFFFF  }
0xbc: {  	[dreg:$0x0] =	wrdreg $0x60  }
0xbd: {  	[dreg:$0x2] =	wrdreg s18  }
0xbe: {  	[dreg:$0x3] =	wrdreg s24  }
0xbf: {  	[dreg:$0x4] =	wrdreg $0xA  }
0xc0: {  	_ =	task.clear_ibuf [dreg:s22], $0x5FFFF;
	_ =	strace $0x9000004F  }
0xc1: {  	s29 =	simm.s32 $0xA;
	_ =	strace $0x80000051  }
0xc2: {  	_ =	swait.ge [sflag:s29], $0x1  }
0xc3: {  	[sflag:s29] =	ssyncadd.s32 $0xFFFFFFFF  }
0xc4: {  	_ =	strace $0x90000051  }
0xc5: {  	_ =	sfence  }
0xc6: {  	s30 =	sld [smem:$0x0];
	_ =	sdelay $0x2  }
0xc7: {  	s31 =	sshll.u32 s1, $0xD;
	s1 =	sshrl.u32 s1, $0x2  }
0xc8: {  	s4 =	sand.u32 $0x4000, s31;
	s1 =	sadd.s32 s1, s30  }
0xc9: {  	s0 =	sor.u32 s4, s0;
	s1 =	sshll.u32 s1, $0x11  }
0xca: {  	s0 =	sor.u32 s1, s0  }
0xcb: {  	s0 =	sadd.s32 $0x8F2B, s0  }
0xcc: {  	[sflag:s0] =	ssyncadd.remote.s32 $0x1  }
0xcd: {  	_ =	sfence.sel $0xFFFF  }
0xce: {  	[dreg:$0x0] =	wrdreg $0xFFFFFFFF;
	(pc) =	sbr.abs _section_cstart, $3  }
0xcf: {  	[dreg:$0x1] =	wrdreg $0xFFFFFFFF  }
0xd0: {  	_ =	task.clear_ibuf [dreg:s22], $0x2FFFF;
	_ =	strace $0x9FFFFFFF  }
0xd1: {  	(tm) =	ssettm $0x7FFFFFFF  }
tec
execute0_lowered:
.L_overlay_start_1:
0x0: {  	(tag) =	ssettag $0x1  }
0x1: {  	s1 =	rddreg [dreg:$0x0]  }
0x2: {  	s4 =	rddreg [dreg:$0x1]  }
0x3: {  	s0 =	rddreg [dreg:$0x2];
	s5 =	srdreg.scid  }
0x4: {  	s3 =	simm.s32 $0x0;
	s2 =	stileid.u32;
	s10 =	simm.s32 $0xC00  }
0x5: {  	s11 =	simm.s32 $0x4C00;
	s12 =	simm.s32 $0x1;
	s13 =	simm.s32 $0x2  }
0x6: {  	s14 =	simm.s32 $0x0;
	s5 =	sand.u32 $0x1, s5;
	[smem:$0x7FF] =	sst s3  }
0x7: {  	s6 =	sshll.u32 s2, $0x9;
	s8 =	sshll.u32 s2, $0x10;
	s7 =	sshll.u32 s5, $0x8  }
0x8: {  	_ =	strace $0x80000050;
	s29 =	ssub.s32 $0x2, s5;
	s8 =	sadd.s32 s8, s4  }
0x9: {  	s30 =	sshll.u32 s5, $0xF;
	s6 =	sor.u32 s7, s6;
	s9 =	sshrl.u32 s29, $0x1  }
0xa: {  	s31 =	sadd.s32 s30, s8;
	s8 =	simm.s32 $0x800;
	s6 =	sadd.s32 s6, s4  }
0xb: {  	s7 =	ssub.s32 s29, s9;
	s9 =	simm.s32 $0x80;
	s4 =	sadd.s32 $0x125400, s6  }
0xc: {  	s5 =	smax.u32 s7, $0x1;
	s6 =	sadd.s32 $0x127400, s31;
	s7 =	simm.s32 $0x3  }
.LBB2_1:
0xd: {  	[tilespmem:s3], [sflag:$0x3] =	stream.linear.gather [hbm4b:s4+s3], $0x800, $0x38;
	[tilespmem:$0x8C00] =	vst v63  }
0xe: {  	_ =	swait.ge [sflag:s7], $0x800  }
0xf: {  	[sflag:s7] =	ssyncset.done $0x0  }
0x10: {  	[sflag:s7] =	ssyncadd.s32 $0xFFFFF800  }
0x11: {  	[tilespmem:s8], [sflag:$0x3] =	stream.linear.gather [hbm4b:s4+s3], $0x100, $0x38;
	[tilespmem:$0x8C00] =	vst v63  }
0x12: {  	_ =	swait.ge [sflag:s7], $0x100  }
0x13: {  	[sflag:s7] =	ssyncset.done $0x0  }
0x14: {  	[sflag:s7] =	ssyncadd.s32 $0xFFFFFF00  }
0x15: {  	[tilespmem:s10], [sflag:$0x1] =	stream.indirect.gather [hbm4b:s1+s9], $0x80, s3, s9, $0xb8;
	[tilespmem:$0x8C00] =	vst v63  }
0x16: {  	_ = 	snop  }
0x17: {  	[tilespmem:s11], [sflag:$0x2] =	stream.indirect.gather [hbm4b:s1+s9], $0x80, s9, s9, $0xb8;
	[tilespmem:$0x8C00] =	vst v63  }
0x18: {  	_ =	swait.ge [sflag:s12], $0x4000  }
0x19: {  	[sflag:s12] =	ssyncset.done $0x0  }
0x1a: {  	s15 =	sadd.s32 $0x0, s6;
	[sflag:s12] =	ssyncadd.s32 $0xFFFFC000  }
0x1b: {  	[hbm4b:s15+s3] =	stream.linear.scatter [tilespmem:s10], [sflag:$0x3], $0x4000, $0x38;
	[tilespmem:$0x8C00] =	vst v63  }
0x1c: {  	_ =	swait.ge [sflag:s7], $0x4000  }
0x1d: {  	[sflag:s7] =	ssyncset.done $0x0  }
0x1e: {  	s16 =	simm.s32 $0x100;
	[sflag:s7] =	ssyncadd.s32 $0xFFFFC000  }
0x1f: {  	[tilespmem:s10], [sflag:$0x1] =	stream.indirect.gather [hbm4b:s1+s9], $0x80, s16, s9, $0xb8;
	[tilespmem:$0x8C00] =	vst v63  }
0x20: {  	_ =	swait.ge [sflag:s13], $0x4000  }
0x21: {  	[sflag:s13] =	ssyncset.done $0x0  }
0x22: {  	s15 =	sadd.s32 $0x800, s15;
	[sflag:s13] =	ssyncadd.s32 $0xFFFFC000  }
0x23: {  	[hbm4b:s15+s3] =	stream.linear.scatter [tilespmem:s11], [sflag:$0x3], $0x4000, $0x38;
	[tilespmem:$0x8C00] =	vst v63  }
0x24: {  	_ =	swait.ge [sflag:s7], $0x4000  }
0x25: {  	s17 =	simm.s32 $0x280;
	[sflag:s7] =	ssyncset.done $0x0  }
0x26: {  	s16 =	simm.s32 $0x1000;
	s15 =	simm.s32 $0x180;
	[sflag:s7] =	ssyncadd.s32 $0xFFFFC000  }
.LBB2_2:
0x27: {  	[tilespmem:s11], [sflag:$0x2] =	stream.indirect.gather [hbm4b:s1+s9], $0x80, s15, s9, $0xb8;
	[tilespmem:$0x8C00] =	vst v63  }
0x28: {  	s18 =	smov.u32 s16;
	s15 =	smov.u32 s17  }
0x29: {  	p0 =	sne.s32 s16, $0x7000;
	s16 =	sadd.s32 $0x1000, s16;
	_ =	swait.ge [sflag:s12], $0x4000  }
0x2a: {  	[sflag:s12] =	ssyncset.done $0x0  }
0x2b: {  	s18 =	sadd.s32 s18, s6;
	[sflag:s12] =	ssyncadd.s32 $0xFFFFC000  }
0x2c: {  	[hbm4b:s18+s3] =	stream.linear.scatter [tilespmem:s10], [sflag:$0x3], $0x4000, $0x38;
	[tilespmem:$0x8C00] =	vst v63  }
0x2d: {  	_ =	swait.ge [sflag:s7], $0x4000  }
0x2e: {  	[sflag:s7] =	ssyncset.done $0x0  }
0x2f: {  	s19 =	sadd.s32 $0xFFFFFF80, s17;
	[sflag:s7] =	ssyncadd.s32 $0xFFFFC000  }
0x30: {  	[tilespmem:s10], [sflag:$0x1] =	stream.indirect.gather [hbm4b:s1+s9], $0x80, s19, s9, $0xb8;
	[tilespmem:$0x8C00] =	vst v63  }
0x31: {  	_ =	swait.ge [sflag:s13], $0x4000  }
0x32: {  	[sflag:s13] =	ssyncset.done $0x0  }
.Ltmp0:
0x33: {  	s18 =	sadd.s32 $0x800, s18;
	[sflag:s13] =	ssyncadd.s32 $0xFFFFC000;
	(pc) =	sbr.rel @p0 .LBB2_2-.Ltmp0, $4  }
0x34: {  	[hbm4b:s18+s3] =	stream.linear.scatter [tilespmem:s11], [sflag:$0x3], $0x4000, $0x38;
	[tilespmem:$0x8C00] =	vst v63  }
0x35: {  	_ =	swait.ge [sflag:s7], $0x4000  }
0x36: {  	[sflag:s7] =	ssyncset.done $0x0  }
0x37: {  	s17 =	sadd.s32 $0x100, s17;
	[sflag:s7] =	ssyncadd.s32 $0xFFFFC000  }
0x38: {  	[tilespmem:s11], [sflag:$0x2] =	stream.indirect.gather [hbm4b:s1+s9], $0x80, s15, s9, $0xb8;
	[tilespmem:$0x8C00] =	vst v63  }
0x39: {  	s14 =	sadd.s32 $0x1, s14  }
0x3a: {  	_ =	swait.ge [sflag:s12], $0x4000;
	p0 =	sne.s32 s14, s5  }
.Ltmp1:
0x3b: {  	[sflag:s12] =	ssyncset.done $0x0;
	(pc) =	sbr.rel @p0 .LBB2_1-.Ltmp1, $4  }
0x3c: {  	[sflag:s12] =	ssyncadd.s32 $0xFFFFC000  }
0x3d: {  	_ =	swait.ge [sflag:s13], $0x4000  }
0x3e: {  	[sflag:s13] =	ssyncset.done $0x0  }
0x3f: {  	[sflag:s13] =	ssyncadd.s32 $0xFFFFC000  }
0x40: {  	_ =	sfence.sel $0x180000  }
0x41: {  	[bflag:$0x0] =	sbarrier.arrive $0xFFFF  }
0x42: {  	p0 =	sne.s32 s2, $0x0;
	_ =	strace $0x90000050  }
0x43: {  	s0 =	sadd.s32 @!p0 $0x100000, s0;
	[bflag:$0x2] =	sbarrier.arrive $0xFFFF  }
0x44: {  	[sflag:s0] =	ssyncadd.tile.s32 @!p0 $0x1;
	_ =	shalt  }
.Lfunc_end2:
_tile_overlayer_lowered:
.L_overlay_start_2:
0x45: {  	(tag) =	ssettag $0x2  }
0x46: {  	s0 =	rddreg [dreg:$0x0];
	s2 =	stileid.u32  }
0x47: {  	s1 =	rddreg [dreg:$0x1];
	p0 =	sne.s32 s2, $0x0  }
0x48: {  	s3 =	rddreg [dreg:$0x2];
	[bflag:$0x3] =	sbarrier.arrive $0xFFFF;
	s2 =	simm.s32 @!p0 $0x1C03  }
0x49: {  	[timem:s3], [sflag:s2] =	dma.local @!p0 [hbm:s0], s1  }
0x4a: {  	s0 =	simm.s32 @!p0 $0x3  }
0x4b: {  	_ =	swait.ge @!p0 [sflag:s0], s1  }
0x4c: {  	s1 =	ssub.s32 @!p0 $0x0, s1;
	[sflag:s0] =	ssyncset.done @!p0 $0x0  }
0x4d: {  	[sflag:s0] =	ssyncadd.s32 @!p0 s1  }
0x4e: {  	[bflag:$0x3] =	sbarrier.arrive $0xFFFF  }
0x4f: {  	_ =	shalt  }

</sc_bundles>
